<compile_context>
chip_gen: v7x
topology: tpu7x:2x2x1
jax: 0.10.2.dev20260603
libtpu: 0.0.44.dev20260713+nightly
codegen_flags: <defaults>
</compile_context>

<pallas_src>
import functools
import math

import jax
import jax.numpy as jnp
from jax import lax
from jax.experimental import pallas as pl
from jax.experimental.pallas import tpu as pltpu
from jax.experimental.pallas import tpu_sc as plsc

D_MODEL = 64
SCALE = math.sqrt(D_MODEL)

NUM_CORES = 2
NUM_SUBCORES = 16
NUM_WORKERS = NUM_CORES * NUM_SUBCORES
LANES = 16

CHUNK = 800


def _emb_kernel(n_rows):
    b_per_w = n_rows // NUM_WORKERS
    n_chunks = b_per_w // CHUNK
    assert n_chunks * CHUNK == b_per_w and n_chunks % 2 == 0
    assert CHUNK % 200 == 0
    n_b0 = CHUNK // 200
    mesh = plsc.VectorSubcoreMesh(core_axis_name="c", subcore_axis_name="s")

    @functools.partial(
        pl.kernel,
        mesh=mesh,
        out_type=jax.ShapeDtypeStruct((n_rows // 200, 200, D_MODEL),
                                      jnp.float32),
        scratch_types=[
            pltpu.VMEM((b_per_w,), jnp.int32),
            pltpu.VMEM((CHUNK, D_MODEL), jnp.float32),
            pltpu.VMEM((CHUNK, D_MODEL), jnp.float32),
            pltpu.SemaphoreType.DMA,
            pltpu.SemaphoreType.DMA,
            pltpu.SemaphoreType.DMA,
            pltpu.SemaphoreType.DMA,
        ],
        compiler_params=pltpu.CompilerParams(use_tc_tiling_on_sc=False),
    )
    def k(x_hbm, table_hbm, out3_hbm, idx_v, rows0, rows1, g0, g1, s0, s1):
        cid = lax.axis_index("c")
        sid = lax.axis_index("s")
        wid = sid * NUM_CORES + cid
        base = wid * b_per_w

        pltpu.sync_copy(x_hbm.at[pl.ds(base, b_per_w)], idx_v)

        def gather(i, rows, sem):
            ic = jnp.minimum(i, n_chunks - 1)
            return pltpu.make_async_copy(
                table_hbm.at[idx_v.at[pl.ds(ic * CHUNK, CHUNK)]], rows, sem
            )

        class _StoreGroup:
            def __init__(self, i, rows, sem):
                b0_0 = wid * (b_per_w // 200) + i * n_b0
                self.copies = [
                    pltpu.make_async_copy(
                        rows.at[pl.ds(r * 200, 200)],
                        out3_hbm.at[b0_0 + r],
                        sem,
                    )
                    for r in range(n_b0)
                ]

            def start(self):
                for c in self.copies:
                    c.start()

            def wait(self):
                for c in self.copies:
                    c.wait()

        store = _StoreGroup

        def scale(rows):
            def scale_row(r, carry):
                for c4 in range(D_MODEL // LANES):
                    sl = pl.ds(c4 * LANES, LANES)
                    rows[r, sl] = rows[r, sl] * SCALE
                return carry

            lax.fori_loop(0, CHUNK, scale_row, 0, unroll=4)

        gather(0, rows0, g0).start()
        gather(1, rows1, g1).start()

        def body(j, carry):
            i = j * 2
            gather(i, rows0, g0).wait()
            scale(rows0)
            store(i, rows0, s0).start()
            gather(i + 1, rows1, g1).wait()
            scale(rows1)
            store(i + 1, rows1, s1).start()
            store(i, rows0, s0).wait()
            gather(i + 2, rows0, g0).start()
            store(i + 1, rows1, s1).wait()
            gather(i + 3, rows1, g1).start()
            return carry

        lax.fori_loop(0, n_chunks // 2, body, 0)

        gather(n_chunks - 1, rows0, g0).wait()
        gather(n_chunks - 1, rows1, g1).wait()

    return k


def kernel(x, table):
    b0, b1 = x.shape
    n_rows = b0 * b1
    out = _emb_kernel(n_rows)(x.reshape(n_rows).astype(jnp.int32), table)
    return out.reshape(b0, b1, D_MODEL)

# --- scband reference (transcript-rebuilt; emitter-appended) ---
"""Pipeline reference for scband-embedding-54331336294675 (READ-ONLY COPY).

The authoritative reference and input builder live on the scoring server;
editing this copy changes nothing except your own understanding.
"""

import jax, jax.numpy as jnp
import numpy as np
import math

VOCAB_SIZE = 1000000
D_MODEL = 64

def setup_inputs(seed: int = 0) -> dict:
    key = jax.random.key(seed)
    k_idx, k_tab = jax.random.split(key)
    x = jax.random.randint(k_idx, (4096, 200), 0, VOCAB_SIZE, dtype=jnp.int64) if jax.config.jax_enable_x64 else jax.random.randint(k_idx, (4096, 200), 0, VOCAB_SIZE, dtype=jnp.int32)
    table = jax.random.normal(k_tab, (VOCAB_SIZE, D_MODEL), dtype=jnp.float32)
    return {"x": x, "table": table}

def reference(x, table):
    # nn.Embedding lookup followed by scaling by sqrt(d_model)
    emb = jnp.take(table, x, axis=0)
    return emb * math.sqrt(D_MODEL)

if __name__ == "__main__":
    import jax
    _d = setup_inputs()
    print(jax.jit(kernel)(*tuple(_d.values())))

</pallas_src>

<mosaic_0001>
#map = affine_map<(d0, d1) -> (0)>
#map1 = affine_map<(d0, d1) -> (0, 0)>
#map2 = affine_map<(d0, d1) -> (0, 0, 0)>
module attributes {stable_mosaic.version = 14 : i64} {
  func.func @k(%arg0: i32, %arg1: i32, %arg2: memref<819200xi32, #tpu.memory_space<hbm>>, %arg3: memref<1000000x64xf32, #tpu.memory_space<hbm>>, %arg4: memref<4096x200x64xf32, #tpu.memory_space<hbm>>, %arg5: memref<25600xi32, #tpu.memory_space<vmem>>, %arg6: memref<800x64xf32, #tpu.memory_space<vmem>>, %arg7: memref<800x64xf32, #tpu.memory_space<vmem>>, %arg8: memref<!tpu.dma_semaphore, #tpu.memory_space<semaphore_mem>>, %arg9: memref<!tpu.dma_semaphore, #tpu.memory_space<semaphore_mem>>, %arg10: memref<!tpu.dma_semaphore, #tpu.memory_space<semaphore_mem>>, %arg11: memref<!tpu.dma_semaphore, #tpu.memory_space<semaphore_mem>>) attributes {dimension_semantics = [#tpu.dimension_semantics<core_parallel>, #tpu.dimension_semantics<subcore_parallel>], iteration_bounds = array<i64: 2, 16>, scalar_prefetch = 0 : i64, scratch_operands = 7 : i64, tpu.core_type = #tpu.core_type<sc_vector_subcore>, window_params = [{transform_indices = #map}, {transform_indices = #map1}, {transform_indices = #map2}]} {
    %mul3A = arith.constant 2 : i32
    %mul3A_0 = arith.muli %arg1, %mul3A : i32
    %add3A = arith.addi %mul3A_0, %arg0 : i32
    %mul3A_1 = arith.constant 25600 : i32
    %mul3A_2 = arith.muli %add3A, %mul3A_1 : i32
    "tpu.region"() ({
      %run_scoped3A = tpu.sem_alloc : memref<!tpu.dma_semaphore, #tpu.memory_space<semaphore_mem>>
      %dma_start3A_41 = tpu.memref_slice %arg2[%mul3A_2] : memref<819200xi32, #tpu.memory_space<hbm>> -> memref<25600xi32, #tpu.memory_space<hbm>>
      %dma_start3A_42 = tpu.memref_slice %arg2[%mul3A_2] : memref<819200xi32, #tpu.memory_space<hbm>> -> memref<25600xi32, #tpu.memory_space<hbm>>
      tpu.enqueue_dma source(%dma_start3A_42 : memref<25600xi32, #tpu.memory_space<hbm>>) target(%arg5 : memref<25600xi32, #tpu.memory_space<vmem>>) target_semaphore(%run_scoped3A : memref<!tpu.dma_semaphore, #tpu.memory_space<semaphore_mem>>)
      %dma_wait3A_43 = tpu.memref_slice %arg2[%mul3A_2] : memref<819200xi32, #tpu.memory_space<hbm>> -> memref<25600xi32, #tpu.memory_space<hbm>>
      %dma_wait3A_44 = tpu.memref_slice %arg2[%mul3A_2] : memref<819200xi32, #tpu.memory_space<hbm>> -> memref<25600xi32, #tpu.memory_space<hbm>>
      tpu.wait_dma2 semaphore(%run_scoped3A : memref<!tpu.dma_semaphore, #tpu.memory_space<semaphore_mem>>) src(%dma_wait3A_44 : memref<25600xi32, #tpu.memory_space<hbm>>) dst(%arg5 : memref<25600xi32, #tpu.memory_space<vmem>>)
      tpu.yield
    }) : () -> ()
    %min3A = arith.constant 0 : i32
    %min3A_3 = arith.constant 31 : i32
    %min3A_4 = arith.minsi %min3A, %min3A_3 : i32
    %mul3A_5 = arith.constant 800 : i32
    %mul3A_6 = arith.muli %min3A_4, %mul3A_5 : i32
    %dma_start3A = tpu.memref_slice %arg5[%mul3A_6] : memref<25600xi32, #tpu.memory_space<vmem>> -> memref<800xi32, #tpu.memory_space<vmem>>
    %dma_start3A_7 = arith.constant 0 : i32
    %dma_start3A_8 = arith.constant 0 : i32
    %dma_start3A_9 = tpu.memref_slice %arg3[%dma_start3A_7, %dma_start3A_8] : memref<1000000x64xf32, #tpu.memory_space<hbm>> -> memref<1000000x64xf32, #tpu.memory_space<hbm>>
    tpu.enqueue_indirect_dma source(%dma_start3A_9 : memref<1000000x64xf32, #tpu.memory_space<hbm>>) target(%arg6 : memref<800x64xf32, #tpu.memory_space<vmem>>) offsets(%dma_start3A : memref<800xi32, #tpu.memory_space<vmem>>) semaphore(%arg8 : memref<!tpu.dma_semaphore, #tpu.memory_space<semaphore_mem>>)
    %min3A_10 = arith.constant 1 : i32
    %min3A_11 = arith.constant 31 : i32
    %min3A_12 = arith.minsi %min3A_10, %min3A_11 : i32
    %mul3A_13 = arith.constant 800 : i32
    %mul3A_14 = arith.muli %min3A_12, %mul3A_13 : i32
    %dma_start3A_15 = tpu.memref_slice %arg5[%mul3A_14] : memref<25600xi32, #tpu.memory_space<vmem>> -> memref<800xi32, #tpu.memory_space<vmem>>
    %dma_start3A_16 = arith.constant 0 : i32
    %dma_start3A_17 = arith.constant 0 : i32
    %dma_start3A_18 = tpu.memref_slice %arg3[%dma_start3A_16, %dma_start3A_17] : memref<1000000x64xf32, #tpu.memory_space<hbm>> -> memref<1000000x64xf32, #tpu.memory_space<hbm>>
    tpu.enqueue_indirect_dma source(%dma_start3A_18 : memref<1000000x64xf32, #tpu.memory_space<hbm>>) target(%arg7 : memref<800x64xf32, #tpu.memory_space<vmem>>) offsets(%dma_start3A_15 : memref<800xi32, #tpu.memory_space<vmem>>) semaphore(%arg9 : memref<!tpu.dma_semaphore, #tpu.memory_space<semaphore_mem>>)
    %scan3A = arith.constant 0 : i32
    %scan3A_19 = arith.constant 0 : i32
    %scan3A_20 = arith.constant 16 : i32
    %scan3A_21 = arith.addi %scan3A_19, %scan3A_20 : i32
    %scan3A_22 = arith.constant 1 : i32
    scf.for %scan3A_41 = %scan3A_19 to %scan3A_21 step %scan3A_22  : i32 {
      %mul3A_42 = arith.constant 2 : i32
      %mul3A_43 = arith.muli %scan3A_41, %mul3A_42 : i32
      %min3A_44 = arith.constant 31 : i32
      %min3A_45 = arith.minsi %mul3A_43, %min3A_44 : i32
      %mul3A_46 = arith.constant 800 : i32
      %mul3A_47 = arith.muli %min3A_45, %mul3A_46 : i32
      %dma_wait3A_48 = tpu.memref_slice %arg5[%mul3A_47] : memref<25600xi32, #tpu.memory_space<vmem>> -> memref<800xi32, #tpu.memory_space<vmem>>
      %dma_wait3A_49 = arith.constant 0 : i32
      %dma_wait3A_50 = arith.constant 0 : i32
      %dma_wait3A_51 = tpu.memref_slice %arg3[%dma_wait3A_49, %dma_wait3A_50] : memref<1000000x64xf32, #tpu.memory_space<hbm>> -> memref<1000000x64xf32, #tpu.memory_space<hbm>>
      tpu.wait_indirect_dma semaphore(%arg8 : memref<!tpu.dma_semaphore, #tpu.memory_space<semaphore_mem>>) src(%dma_wait3A_51 : memref<1000000x64xf32, #tpu.memory_space<hbm>>) dst(%arg6 : memref<800x64xf32, #tpu.memory_space<vmem>>)
      %scan3A_52 = arith.constant 0 : i32
      %scan3A_53 = arith.constant 0 : i32
      %scan3A_54 = arith.constant 800 : i32
      %scan3A_55 = arith.addi %scan3A_53, %scan3A_54 : i32
      %scan3A_56 = arith.constant 4 : i32
      scf.for %scan3A_374 = %scan3A_53 to %scan3A_55 step %scan3A_56  : i32 {
        %get3A = arith.index_cast %scan3A_374 : i32 to index
        %get3A_375 = arith.constant 0 : index
        %get3A_376 = tpu.vector_load %arg6[%get3A, %get3A_375] {strides = array<i32>} : memref<800x64xf32, #tpu.memory_space<vmem>>, vector<1x16xf32>,
        %get3A_377 = vector.shape_cast %get3A_376 : vector<1x16xf32> to vector<16xf32>
        %mul3A_378 = arith.constant 8.000000e+00 : f32
        %mul3A_379 = vector.broadcast %mul3A_378 : f32 to vector<16xf32>
        %mul3A_380 = arith.mulf %get3A_377, %mul3A_379 : vector<16xf32>
        %swap3A = arith.index_cast %scan3A_374 : i32 to index
        %swap3A_381 = arith.constant 0 : index
        %swap3A_382 = tpu.vector_load %arg6[%swap3A, %swap3A_381] {strides = array<i32>} : memref<800x64xf32, #tpu.memory_space<vmem>>, vector<1x16xf32>,
        %swap3A_383 = vector.shape_cast %swap3A_382 : vector<1x16xf32> to vector<16xf32>
        %swap3A_384 = vector.shape_cast %mul3A_380 : vector<16xf32> to vector<1x16xf32>
        tpu.vector_store %arg6[%swap3A, %swap3A_381], %swap3A_384 {strides = array<i32>} : memref<800x64xf32, #tpu.memory_space<vmem>>, vector<1x16xf32>,
        %get3A_385 = arith.index_cast %scan3A_374 : i32 to index
        %get3A_386 = arith.constant 16 : index
        %get3A_387 = tpu.vector_load %arg6[%get3A_385, %get3A_386] {strides = array<i32>} : memref<800x64xf32, #tpu.memory_space<vmem>>, vector<1x16xf32>,
        %get3A_388 = vector.shape_cast %get3A_387 : vector<1x16xf32> to vector<16xf32>
        %mul3A_389 = arith.constant 8.000000e+00 : f32
        %mul3A_390 = vector.broadcast %mul3A_389 : f32 to vector<16xf32>
        %mul3A_391 = arith.mulf %get3A_388, %mul3A_390 : vector<16xf32>
        %swap3A_392 = arith.index_cast %scan3A_374 : i32 to index
        %swap3A_393 = arith.constant 16 : index
        %swap3A_394 = tpu.vector_load %arg6[%swap3A_392, %swap3A_393] {strides = array<i32>} : memref<800x64xf32, #tpu.memory_space<vmem>>, vector<1x16xf32>,
        %swap3A_395 = vector.shape_cast %swap3A_394 : vector<1x16xf32> to vector<16xf32>
        %swap3A_396 = vector.shape_cast %mul3A_391 : vector<16xf32> to vector<1x16xf32>
        tpu.vector_store %arg6[%swap3A_392, %swap3A_393], %swap3A_396 {strides = array<i32>} : memref<800x64xf32, #tpu.memory_space<vmem>>, vector<1x16xf32>,
        %get3A_397 = arith.index_cast %scan3A_374 : i32 to index
        %get3A_398 = arith.constant 32 : index
        %get3A_399 = tpu.vector_load %arg6[%get3A_397, %get3A_398] {strides = array<i32>} : memref<800x64xf32, #tpu.memory_space<vmem>>, vector<1x16xf32>,
        %get3A_400 = vector.shape_cast %get3A_399 : vector<1x16xf32> to vector<16xf32>
        %mul3A_401 = arith.constant 8.000000e+00 : f32
        %mul3A_402 = vector.broadcast %mul3A_401 : f32 to vector<16xf32>
        %mul3A_403 = arith.mulf %get3A_400, %mul3A_402 : vector<16xf32>
        %swap3A_404 = arith.index_cast %scan3A_374 : i32 to index
        %swap3A_405 = arith.constant 32 : index
        %swap3A_406 = tpu.vector_load %arg6[%swap3A_404, %swap3A_405] {strides = array<i32>} : memref<800x64xf32, #tpu.memory_space<vmem>>, vector<1x16xf32>,
        %swap3A_407 = vector.shape_cast %swap3A_406 : vector<1x16xf32> to vector<16xf32>
        %swap3A_408 = vector.shape_cast %mul3A_403 : vector<16xf32> to vector<1x16xf32>
        tpu.vector_store %arg6[%swap3A_404, %swap3A_405], %swap3A_408 {strides = array<i32>} : memref<800x64xf32, #tpu.memory_space<vmem>>, vector<1x16xf32>,
        %get3A_409 = arith.index_cast %scan3A_374 : i32 to index
        %get3A_410 = arith.constant 48 : index
        %get3A_411 = tpu.vector_load %arg6[%get3A_409, %get3A_410] {strides = array<i32>} : memref<800x64xf32, #tpu.memory_space<vmem>>, vector<1x16xf32>,
        %get3A_412 = vector.shape_cast %get3A_411 : vector<1x16xf32> to vector<16xf32>
        %mul3A_413 = arith.constant 8.000000e+00 : f32
        %mul3A_414 = vector.broadcast %mul3A_413 : f32 to vector<16xf32>
        %mul3A_415 = arith.mulf %get3A_412, %mul3A_414 : vector<16xf32>
        %swap3A_416 = arith.index_cast %scan3A_374 : i32 to index
        %swap3A_417 = arith.constant 48 : index
        %swap3A_418 = tpu.vector_load %arg6[%swap3A_416, %swap3A_417] {strides = array<i32>} : memref<800x64xf32, #tpu.memory_space<vmem>>, vector<1x16xf32>,
        %swap3A_419 = vector.shape_cast %swap3A_418 : vector<1x16xf32> to vector<16xf32>
        %swap3A_420 = vector.shape_cast %mul3A_415 : vector<16xf32> to vector<1x16xf32>
        tpu.vector_store %arg6[%swap3A_416, %swap3A_417], %swap3A_420 {strides = array<i32>} : memref<800x64xf32, #tpu.memory_space<vmem>>, vector<1x16xf32>,
        %scan3A_421 = arith.constant 1 : i32
        %scan3A_422 = arith.addi %scan3A_374, %scan3A_421 : i32
        %get3A_423 = arith.index_cast %scan3A_422 : i32 to index
        %get3A_424 = arith.constant 0 : index
        %get3A_425 = tpu.vector_load %arg6[%get3A_423, %get3A_424] {strides = array<i32>} : memref<800x64xf32, #tpu.memory_space<vmem>>, vector<1x16xf32>,
        %get3A_426 = vector.shape_cast %get3A_425 : vector<1x16xf32> to vector<16xf32>
        %mul3A_427 = arith.constant 8.000000e+00 : f32
        %mul3A_428 = vector.broadcast %mul3A_427 : f32 to vector<16xf32>
        %mul3A_429 = arith.mulf %get3A_426, %mul3A_428 : vector<16xf32>
        %swap3A_430 = arith.index_cast %scan3A_422 : i32 to index
        %swap3A_431 = arith.constant 0 : index
        %swap3A_432 = tpu.vector_load %arg6[%swap3A_430, %swap3A_431] {strides = array<i32>} : memref<800x64xf32, #tpu.memory_space<vmem>>, vector<1x16xf32>,
        %swap3A_433 = vector.shape_cast %swap3A_432 : vector<1x16xf32> to vector<16xf32>
        %swap3A_434 = vector.shape_cast %mul3A_429 : vector<16xf32> to vector<1x16xf32>
        tpu.vector_store %arg6[%swap3A_430, %swap3A_431], %swap3A_434 {strides = array<i32>} : memref<800x64xf32, #tpu.memory_space<vmem>>, vector<1x16xf32>,
        %get3A_435 = arith.index_cast %scan3A_422 : i32 to index
        %get3A_436 = arith.constant 16 : index
        %get3A_437 = tpu.vector_load %arg6[%get3A_435, %get3A_436] {strides = array<i32>} : memref<800x64xf32, #tpu.memory_space<vmem>>, vector<1x16xf32>,
        %get3A_438 = vector.shape_cast %get3A_437 : vector<1x16xf32> to vector<16xf32>
        %mul3A_439 = arith.constant 8.000000e+00 : f32
        %mul3A_440 = vector.broadcast %mul3A_439 : f32 to vector<16xf32>
        %mul3A_441 = arith.mulf %get3A_438, %mul3A_440 : vector<16xf32>
        %swap3A_442 = arith.index_cast %scan3A_422 : i32 to index
        %swap3A_443 = arith.constant 16 : index
        %swap3A_444 = tpu.vector_load %arg6[%swap3A_442, %swap3A_443] {strides = array<i32>} : memref<800x64xf32, #tpu.memory_space<vmem>>, vector<1x16xf32>,
        %swap3A_445 = vector.shape_cast %swap3A_444 : vector<1x16xf32> to vector<16xf32>
        %swap3A_446 = vector.shape_cast %mul3A_441 : vector<16xf32> to vector<1x16xf32>
        tpu.vector_store %arg6[%swap3A_442, %swap3A_443], %swap3A_446 {strides = array<i32>} : memref<800x64xf32, #tpu.memory_space<vmem>>, vector<1x16xf32>,
        %get3A_447 = arith.index_cast %scan3A_422 : i32 to index
        %get3A_448 = arith.constant 32 : index
        %get3A_449 = tpu.vector_load %arg6[%get3A_447, %get3A_448] {strides = array<i32>} : memref<800x64xf32, #tpu.memory_space<vmem>>, vector<1x16xf32>,
        %get3A_450 = vector.shape_cast %get3A_449 : vector<1x16xf32> to vector<16xf32>
        %mul3A_451 = arith.constant 8.000000e+00 : f32
        %mul3A_452 = vector.broadcast %mul3A_451 : f32 to vector<16xf32>
        %mul3A_453 = arith.mulf %get3A_450, %mul3A_452 : vector<16xf32>
        %swap3A_454 = arith.index_cast %scan3A_422 : i32 to index
        %swap3A_455 = arith.constant 32 : index
        %swap3A_456 = tpu.vector_load %arg6[%swap3A_454, %swap3A_455] {strides = array<i32>} : memref<800x64xf32, #tpu.memory_space<vmem>>, vector<1x16xf32>,
        %swap3A_457 = vector.shape_cast %swap3A_456 : vector<1x16xf32> to vector<16xf32>
        %swap3A_458 = vector.shape_cast %mul3A_453 : vector<16xf32> to vector<1x16xf32>
        tpu.vector_store %arg6[%swap3A_454, %swap3A_455], %swap3A_458 {strides = array<i32>} : memref<800x64xf32, #tpu.memory_space<vmem>>, vector<1x16xf32>,
        %get3A_459 = arith.index_cast %scan3A_422 : i32 to index
        %get3A_460 = arith.constant 48 : index
        %get3A_461 = tpu.vector_load %arg6[%get3A_459, %get3A_460] {strides = array<i32>} : memref<800x64xf32, #tpu.memory_space<vmem>>, vector<1x16xf32>,
        %get3A_462 = vector.shape_cast %get3A_461 : vector<1x16xf32> to vector<16xf32>
        %mul3A_463 = arith.constant 8.000000e+00 : f32
        %mul3A_464 = vector.broadcast %mul3A_463 : f32 to vector<16xf32>
        %mul3A_465 = arith.mulf %get3A_462, %mul3A_464 : vector<16xf32>
        %swap3A_466 = arith.index_cast %scan3A_422 : i32 to index
        %swap3A_467 = arith.constant 48 : index
        %swap3A_468 = tpu.vector_load %arg6[%swap3A_466, %swap3A_467] {strides = array<i32>} : memref<800x64xf32, #tpu.memory_space<vmem>>, vector<1x16xf32>,
        %swap3A_469 = vector.shape_cast %swap3A_468 : vector<1x16xf32> to vector<16xf32>
        %swap3A_470 = vector.shape_cast %mul3A_465 : vector<16xf32> to vector<1x16xf32>
        tpu.vector_store %arg6[%swap3A_466, %swap3A_467], %swap3A_470 {strides = array<i32>} : memref<800x64xf32, #tpu.memory_space<vmem>>, vector<1x16xf32>,
        %scan3A_471 = arith.constant 2 : i32
        %scan3A_472 = arith.addi %scan3A_374, %scan3A_471 : i32
        %get3A_473 = arith.index_cast %scan3A_472 : i32 to index
        %get3A_474 = arith.constant 0 : index
        %get3A_475 = tpu.vector_load %arg6[%get3A_473, %get3A_474] {strides = array<i32>} : memref<800x64xf32, #tpu.memory_space<vmem>>, vector<1x16xf32>,
        %get3A_476 = vector.shape_cast %get3A_475 : vector<1x16xf32> to vector<16xf32>
        %mul3A_477 = arith.constant 8.000000e+00 : f32
        %mul3A_478 = vector.broadcast %mul3A_477 : f32 to vector<16xf32>
        %mul3A_479 = arith.mulf %get3A_476, %mul3A_478 : vector<16xf32>
        %swap3A_480 = arith.index_cast %scan3A_472 : i32 to index
        %swap3A_481 = arith.constant 0 : index
        %swap3A_482 = tpu.vector_load %arg6[%swap3A_480, %swap3A_481] {strides = array<i32>} : memref<800x64xf32, #tpu.memory_space<vmem>>, vector<1x16xf32>,
        %swap3A_483 = vector.shape_cast %swap3A_482 : vector<1x16xf32> to vector<16xf32>
        %swap3A_484 = vector.shape_cast %mul3A_479 : vector<16xf32> to vector<1x16xf32>
        tpu.vector_store %arg6[%swap3A_480, %swap3A_481], %swap3A_484 {strides = array<i32>} : memref<800x64xf32, #tpu.memory_space<vmem>>, vector<1x16xf32>,
        %get3A_485 = arith.index_cast %scan3A_472 : i32 to index
        %get3A_486 = arith.constant 16 : index
        %get3A_487 = tpu.vector_load %arg6[%get3A_485, %get3A_486] {strides = array<i32>} : memref<800x64xf32, #tpu.memory_space<vmem>>, vector<1x16xf32>,
        %get3A_488 = vector.shape_cast %get3A_487 : vector<1x16xf32> to vector<16xf32>
        %mul3A_489 = arith.constant 8.000000e+00 : f32
        %mul3A_490 = vector.broadcast %mul3A_489 : f32 to vector<16xf32>
        %mul3A_491 = arith.mulf %get3A_488, %mul3A_490 : vector<16xf32>
        %swap3A_492 = arith.index_cast %scan3A_472 : i32 to index
        %swap3A_493 = arith.constant 16 : index
        %swap3A_494 = tpu.vector_load %arg6[%swap3A_492, %swap3A_493] {strides = array<i32>} : memref<800x64xf32, #tpu.memory_space<vmem>>, vector<1x16xf32>,
        %swap3A_495 = vector.shape_cast %swap3A_494 : vector<1x16xf32> to vector<16xf32>
        %swap3A_496 = vector.shape_cast %mul3A_491 : vector<16xf32> to vector<1x16xf32>
        tpu.vector_store %arg6[%swap3A_492, %swap3A_493], %swap3A_496 {strides = array<i32>} : memref<800x64xf32, #tpu.memory_space<vmem>>, vector<1x16xf32>,
        %get3A_497 = arith.index_cast %scan3A_472 : i32 to index
        %get3A_498 = arith.constant 32 : index
        %get3A_499 = tpu.vector_load %arg6[%get3A_497, %get3A_498] {strides = array<i32>} : memref<800x64xf32, #tpu.memory_space<vmem>>, vector<1x16xf32>,
        %get3A_500 = vector.shape_cast %get3A_499 : vector<1x16xf32> to vector<16xf32>
        %mul3A_501 = arith.constant 8.000000e+00 : f32
        %mul3A_502 = vector.broadcast %mul3A_501 : f32 to vector<16xf32>
        %mul3A_503 = arith.mulf %get3A_500, %mul3A_502 : vector<16xf32>
        %swap3A_504 = arith.index_cast %scan3A_472 : i32 to index
        %swap3A_505 = arith.constant 32 : index
        %swap3A_506 = tpu.vector_load %arg6[%swap3A_504, %swap3A_505] {strides = array<i32>} : memref<800x64xf32, #tpu.memory_space<vmem>>, vector<1x16xf32>,
        %swap3A_507 = vector.shape_cast %swap3A_506 : vector<1x16xf32> to vector<16xf32>
        %swap3A_508 = vector.shape_cast %mul3A_503 : vector<16xf32> to vector<1x16xf32>
        tpu.vector_store %arg6[%swap3A_504, %swap3A_505], %swap3A_508 {strides = array<i32>} : memref<800x64xf32, #tpu.memory_space<vmem>>, vector<1x16xf32>,
        %get3A_509 = arith.index_cast %scan3A_472 : i32 to index
        %get3A_510 = arith.constant 48 : index
        %get3A_511 = tpu.vector_load %arg6[%get3A_509, %get3A_510] {strides = array<i32>} : memref<800x64xf32, #tpu.memory_space<vmem>>, vector<1x16xf32>,
        %get3A_512 = vector.shape_cast %get3A_511 : vector<1x16xf32> to vector<16xf32>
        %mul3A_513 = arith.constant 8.000000e+00 : f32
        %mul3A_514 = vector.broadcast %mul3A_513 : f32 to vector<16xf32>
        %mul3A_515 = arith.mulf %get3A_512, %mul3A_514 : vector<16xf32>
        %swap3A_516 = arith.index_cast %scan3A_472 : i32 to index
        %swap3A_517 = arith.constant 48 : index
        %swap3A_518 = tpu.vector_load %arg6[%swap3A_516, %swap3A_517] {strides = array<i32>} : memref<800x64xf32, #tpu.memory_space<vmem>>, vector<1x16xf32>,
        %swap3A_519 = vector.shape_cast %swap3A_518 : vector<1x16xf32> to vector<16xf32>
        %swap3A_520 = vector.shape_cast %mul3A_515 : vector<16xf32> to vector<1x16xf32>
        tpu.vector_store %arg6[%swap3A_516, %swap3A_517], %swap3A_520 {strides = array<i32>} : memref<800x64xf32, #tpu.memory_space<vmem>>, vector<1x16xf32>,
        %scan3A_521 = arith.constant 3 : i32
        %scan3A_522 = arith.addi %scan3A_374, %scan3A_521 : i32
        %get3A_523 = arith.index_cast %scan3A_522 : i32 to index
        %get3A_524 = arith.constant 0 : index
        %get3A_525 = tpu.vector_load %arg6[%get3A_523, %get3A_524] {strides = array<i32>} : memref<800x64xf32, #tpu.memory_space<vmem>>, vector<1x16xf32>,
        %get3A_526 = vector.shape_cast %get3A_525 : vector<1x16xf32> to vector<16xf32>
        %mul3A_527 = arith.constant 8.000000e+00 : f32
        %mul3A_528 = vector.broadcast %mul3A_527 : f32 to vector<16xf32>
        %mul3A_529 = arith.mulf %get3A_526, %mul3A_528 : vector<16xf32>
        %swap3A_530 = arith.index_cast %scan3A_522 : i32 to index
        %swap3A_531 = arith.constant 0 : index
        %swap3A_532 = tpu.vector_load %arg6[%swap3A_530, %swap3A_531] {strides = array<i32>} : memref<800x64xf32, #tpu.memory_space<vmem>>, vector<1x16xf32>,
        %swap3A_533 = vector.shape_cast %swap3A_532 : vector<1x16xf32> to vector<16xf32>
        %swap3A_534 = vector.shape_cast %mul3A_529 : vector<16xf32> to vector<1x16xf32>
        tpu.vector_store %arg6[%swap3A_530, %swap3A_531], %swap3A_534 {strides = array<i32>} : memref<800x64xf32, #tpu.memory_space<vmem>>, vector<1x16xf32>,
        %get3A_535 = arith.index_cast %scan3A_522 : i32 to index
        %get3A_536 = arith.constant 16 : index
        %get3A_537 = tpu.vector_load %arg6[%get3A_535, %get3A_536] {strides = array<i32>} : memref<800x64xf32, #tpu.memory_space<vmem>>, vector<1x16xf32>,
        %get3A_538 = vector.shape_cast %get3A_537 : vector<1x16xf32> to vector<16xf32>
        %mul3A_539 = arith.constant 8.000000e+00 : f32
        %mul3A_540 = vector.broadcast %mul3A_539 : f32 to vector<16xf32>
        %mul3A_541 = arith.mulf %get3A_538, %mul3A_540 : vector<16xf32>
        %swap3A_542 = arith.index_cast %scan3A_522 : i32 to index
        %swap3A_543 = arith.constant 16 : index
        %swap3A_544 = tpu.vector_load %arg6[%swap3A_542, %swap3A_543] {strides = array<i32>} : memref<800x64xf32, #tpu.memory_space<vmem>>, vector<1x16xf32>,
        %swap3A_545 = vector.shape_cast %swap3A_544 : vector<1x16xf32> to vector<16xf32>
        %swap3A_546 = vector.shape_cast %mul3A_541 : vector<16xf32> to vector<1x16xf32>
        tpu.vector_store %arg6[%swap3A_542, %swap3A_543], %swap3A_546 {strides = array<i32>} : memref<800x64xf32, #tpu.memory_space<vmem>>, vector<1x16xf32>,
        %get3A_547 = arith.index_cast %scan3A_522 : i32 to index
        %get3A_548 = arith.constant 32 : index
        %get3A_549 = tpu.vector_load %arg6[%get3A_547, %get3A_548] {strides = array<i32>} : memref<800x64xf32, #tpu.memory_space<vmem>>, vector<1x16xf32>,
        %get3A_550 = vector.shape_cast %get3A_549 : vector<1x16xf32> to vector<16xf32>
        %mul3A_551 = arith.constant 8.000000e+00 : f32
        %mul3A_552 = vector.broadcast %mul3A_551 : f32 to vector<16xf32>
        %mul3A_553 = arith.mulf %get3A_550, %mul3A_552 : vector<16xf32>
        %swap3A_554 = arith.index_cast %scan3A_522 : i32 to index
        %swap3A_555 = arith.constant 32 : index
        %swap3A_556 = tpu.vector_load %arg6[%swap3A_554, %swap3A_555] {strides = array<i32>} : memref<800x64xf32, #tpu.memory_space<vmem>>, vector<1x16xf32>,
        %swap3A_557 = vector.shape_cast %swap3A_556 : vector<1x16xf32> to vector<16xf32>
        %swap3A_558 = vector.shape_cast %mul3A_553 : vector<16xf32> to vector<1x16xf32>
        tpu.vector_store %arg6[%swap3A_554, %swap3A_555], %swap3A_558 {strides = array<i32>} : memref<800x64xf32, #tpu.memory_space<vmem>>, vector<1x16xf32>,
        %get3A_559 = arith.index_cast %scan3A_522 : i32 to index
        %get3A_560 = arith.constant 48 : index
        %get3A_561 = tpu.vector_load %arg6[%get3A_559, %get3A_560] {strides = array<i32>} : memref<800x64xf32, #tpu.memory_space<vmem>>, vector<1x16xf32>,
        %get3A_562 = vector.shape_cast %get3A_561 : vector<1x16xf32> to vector<16xf32>
        %mul3A_563 = arith.constant 8.000000e+00 : f32
        %mul3A_564 = vector.broadcast %mul3A_563 : f32 to vector<16xf32>
        %mul3A_565 = arith.mulf %get3A_562, %mul3A_564 : vector<16xf32>
        %swap3A_566 = arith.index_cast %scan3A_522 : i32 to index
        %swap3A_567 = arith.constant 48 : index
        %swap3A_568 = tpu.vector_load %arg6[%swap3A_566, %swap3A_567] {strides = array<i32>} : memref<800x64xf32, #tpu.memory_space<vmem>>, vector<1x16xf32>,
        %swap3A_569 = vector.shape_cast %swap3A_568 : vector<1x16xf32> to vector<16xf32>
        %swap3A_570 = vector.shape_cast %mul3A_565 : vector<16xf32> to vector<1x16xf32>
        tpu.vector_store %arg6[%swap3A_566, %swap3A_567], %swap3A_570 {strides = array<i32>} : memref<800x64xf32, #tpu.memory_space<vmem>>, vector<1x16xf32>,
      }
      %scan3A_57 = arith.constant 800 : i32
      %mul3A_58 = arith.constant 128 : i32
      %mul3A_59 = arith.muli %add3A, %mul3A_58 : i32
      %mul3A_60 = arith.constant 4 : i32
      %mul3A_61 = arith.muli %mul3A_43, %mul3A_60 : i32
      %add3A_62 = arith.addi %mul3A_59, %mul3A_61 : i32
      %add3A_63 = arith.constant 0 : i32
      %add3A_64 = arith.addi %add3A_62, %add3A_63 : i32
      %add3A_65 = arith.constant 1 : i32
      %add3A_66 = arith.addi %add3A_62, %add3A_65 : i32
      %add3A_67 = arith.constant 2 : i32
      %add3A_68 = arith.addi %add3A_62, %add3A_67 : i32
      %add3A_69 = arith.constant 3 : i32
      %add3A_70 = arith.addi %add3A_62, %add3A_69 : i32
      %dma_start3A_71 = arith.constant 0 : i32
      %dma_start3A_72 = arith.constant 0 : i32
      %dma_start3A_73 = tpu.memref_slice %arg6[%dma_start3A_71, %dma_start3A_72] : memref<800x64xf32, #tpu.memory_space<vmem>> -> memref<200x64xf32, #tpu.memory_space<vmem>>
      %dma_start3A_74 = arith.constant 0 : i32
      %dma_start3A_75 = arith.constant 0 : i32
      %dma_start3A_76 = tpu.memref_slice %arg4[%add3A_64, %dma_start3A_74, %dma_start3A_75] : memref<4096x200x64xf32, #tpu.memory_space<hbm>> -> memref<1x200x64xf32, #tpu.memory_space<hbm>>
      %dma_start3A_77 = tpu.memref_squeeze %dma_start3A_76 : memref<1x200x64xf32, #tpu.memory_space<hbm>> -> memref<200x64xf32, #tpu.memory_space<hbm>>
      %dma_start3A_78 = arith.constant 0 : i32
      %dma_start3A_79 = arith.constant 0 : i32
      %dma_start3A_80 = tpu.memref_slice %arg4[%add3A_64, %dma_start3A_78, %dma_start3A_79] : memref<4096x200x64xf32, #tpu.memory_space<hbm>> -> memref<1x200x64xf32, #tpu.memory_space<hbm>>
      %dma_start3A_81 = tpu.memref_squeeze %dma_start3A_80 : memref<1x200x64xf32, #tpu.memory_space<hbm>> -> memref<200x64xf32, #tpu.memory_space<hbm>>
      %dma_start3A_82 = arith.constant 0 : i32
      %dma_start3A_83 = arith.constant 0 : i32
      %dma_start3A_84 = tpu.memref_slice %arg6[%dma_start3A_82, %dma_start3A_83] : memref<800x64xf32, #tpu.memory_space<vmem>> -> memref<200x64xf32, #tpu.memory_space<vmem>>
      tpu.enqueue_dma source(%dma_start3A_84 : memref<200x64xf32, #tpu.memory_space<vmem>>) target(%dma_start3A_81 : memref<200x64xf32, #tpu.memory_space<hbm>>) target_semaphore(%arg10 : memref<!tpu.dma_semaphore, #tpu.memory_space<semaphore_mem>>)
      %dma_start3A_85 = arith.constant 200 : i32
      %dma_start3A_86 = arith.constant 0 : i32
      %dma_start3A_87 = tpu.memref_slice %arg6[%dma_start3A_85, %dma_start3A_86] : memref<800x64xf32, #tpu.memory_space<vmem>> -> memref<200x64xf32, #tpu.memory_space<vmem>>
      %dma_start3A_88 = arith.constant 0 : i32
      %dma_start3A_89 = arith.constant 0 : i32
      %dma_start3A_90 = tpu.memref_slice %arg4[%add3A_66, %dma_start3A_88, %dma_start3A_89] : memref<4096x200x64xf32, #tpu.memory_space<hbm>> -> memref<1x200x64xf32, #tpu.memory_space<hbm>>
      %dma_start3A_91 = tpu.memref_squeeze %dma_start3A_90 : memref<1x200x64xf32, #tpu.memory_space<hbm>> -> memref<200x64xf32, #tpu.memory_space<hbm>>
      %dma_start3A_92 = arith.constant 0 : i32
      %dma_start3A_93 = arith.constant 0 : i32
      %dma_start3A_94 = tpu.memref_slice %arg4[%add3A_66, %dma_start3A_92, %dma_start3A_93] : memref<4096x200x64xf32, #tpu.memory_space<hbm>> -> memref<1x200x64xf32, #tpu.memory_space<hbm>>
      %dma_start3A_95 = tpu.memref_squeeze %dma_start3A_94 : memref<1x200x64xf32, #tpu.memory_space<hbm>> -> memref<200x64xf32, #tpu.memory_space<hbm>>
      %dma_start3A_96 = arith.constant 200 : i32
      %dma_start3A_97 = arith.constant 0 : i32
      %dma_start3A_98 = tpu.memref_slice %arg6[%dma_start3A_96, %dma_start3A_97] : memref<800x64xf32, #tpu.memory_space<vmem>> -> memref<200x64xf32, #tpu.memory_space<vmem>>
      tpu.enqueue_dma source(%dma_start3A_98 : memref<200x64xf32, #tpu.memory_space<vmem>>) target(%dma_start3A_95 : memref<200x64xf32, #tpu.memory_space<hbm>>) target_semaphore(%arg10 : memref<!tpu.dma_semaphore, #tpu.memory_space<semaphore_mem>>)
      %dma_start3A_99 = arith.constant 400 : i32
      %dma_start3A_100 = arith.constant 0 : i32
      %dma_start3A_101 = tpu.memref_slice %arg6[%dma_start3A_99, %dma_start3A_100] : memref<800x64xf32, #tpu.memory_space<vmem>> -> memref<200x64xf32, #tpu.memory_space<vmem>>
      %dma_start3A_102 = arith.constant 0 : i32
      %dma_start3A_103 = arith.constant 0 : i32
      %dma_start3A_104 = tpu.memref_slice %arg4[%add3A_68, %dma_start3A_102, %dma_start3A_103] : memref<4096x200x64xf32, #tpu.memory_space<hbm>> -> memref<1x200x64xf32, #tpu.memory_space<hbm>>
      %dma_start3A_105 = tpu.memref_squeeze %dma_start3A_104 : memref<1x200x64xf32, #tpu.memory_space<hbm>> -> memref<200x64xf32, #tpu.memory_space<hbm>>
      %dma_start3A_106 = arith.constant 0 : i32
      %dma_start3A_107 = arith.constant 0 : i32
      %dma_start3A_108 = tpu.memref_slice %arg4[%add3A_68, %dma_start3A_106, %dma_start3A_107] : memref<4096x200x64xf32, #tpu.memory_space<hbm>> -> memref<1x200x64xf32, #tpu.memory_space<hbm>>
      %dma_start3A_109 = tpu.memref_squeeze %dma_start3A_108 : memref<1x200x64xf32, #tpu.memory_space<hbm>> -> memref<200x64xf32, #tpu.memory_space<hbm>>
      %dma_start3A_110 = arith.constant 400 : i32
      %dma_start3A_111 = arith.constant 0 : i32
      %dma_start3A_112 = tpu.memref_slice %arg6[%dma_start3A_110, %dma_start3A_111] : memref<800x64xf32, #tpu.memory_space<vmem>> -> memref<200x64xf32, #tpu.memory_space<vmem>>
      tpu.enqueue_dma source(%dma_start3A_112 : memref<200x64xf32, #tpu.memory_space<vmem>>) target(%dma_start3A_109 : memref<200x64xf32, #tpu.memory_space<hbm>>) target_semaphore(%arg10 : memref<!tpu.dma_semaphore, #tpu.memory_space<semaphore_mem>>)
      %dma_start3A_113 = arith.constant 600 : i32
      %dma_start3A_114 = arith.constant 0 : i32
      %dma_start3A_115 = tpu.memref_slice %arg6[%dma_start3A_113, %dma_start3A_114] : memref<800x64xf32, #tpu.memory_space<vmem>> -> memref<200x64xf32, #tpu.memory_space<vmem>>
      %dma_start3A_116 = arith.constant 0 : i32
      %dma_start3A_117 = arith.constant 0 : i32
      %dma_start3A_118 = tpu.memref_slice %arg4[%add3A_70, %dma_start3A_116, %dma_start3A_117] : memref<4096x200x64xf32, #tpu.memory_space<hbm>> -> memref<1x200x64xf32, #tpu.memory_space<hbm>>
      %dma_start3A_119 = tpu.memref_squeeze %dma_start3A_118 : memref<1x200x64xf32, #tpu.memory_space<hbm>> -> memref<200x64xf32, #tpu.memory_space<hbm>>
      %dma_start3A_120 = arith.constant 0 : i32
      %dma_start3A_121 = arith.constant 0 : i32
      %dma_start3A_122 = tpu.memref_slice %arg4[%add3A_70, %dma_start3A_120, %dma_start3A_121] : memref<4096x200x64xf32, #tpu.memory_space<hbm>> -> memref<1x200x64xf32, #tpu.memory_space<hbm>>
      %dma_start3A_123 = tpu.memref_squeeze %dma_start3A_122 : memref<1x200x64xf32, #tpu.memory_space<hbm>> -> memref<200x64xf32, #tpu.memory_space<hbm>>
      %dma_start3A_124 = arith.constant 600 : i32
      %dma_start3A_125 = arith.constant 0 : i32
      %dma_start3A_126 = tpu.memref_slice %arg6[%dma_start3A_124, %dma_start3A_125] : memref<800x64xf32, #tpu.memory_space<vmem>> -> memref<200x64xf32, #tpu.memory_space<vmem>>
      tpu.enqueue_dma source(%dma_start3A_126 : memref<200x64xf32, #tpu.memory_space<vmem>>) target(%dma_start3A_123 : memref<200x64xf32, #tpu.memory_space<hbm>>) target_semaphore(%arg10 : memref<!tpu.dma_semaphore, #tpu.memory_space<semaphore_mem>>)
      %add3A_127 = arith.constant 1 : i32
      %add3A_128 = arith.addi %mul3A_43, %add3A_127 : i32
      %min3A_129 = arith.constant 31 : i32
      %min3A_130 = arith.minsi %add3A_128, %min3A_129 : i32
      %mul3A_131 = arith.constant 800 : i32
      %mul3A_132 = arith.muli %min3A_130, %mul3A_131 : i32
      %dma_wait3A_133 = tpu.memref_slice %arg5[%mul3A_132] : memref<25600xi32, #tpu.memory_space<vmem>> -> memref<800xi32, #tpu.memory_space<vmem>>
      %dma_wait3A_134 = arith.constant 0 : i32
      %dma_wait3A_135 = arith.constant 0 : i32
      %dma_wait3A_136 = tpu.memref_slice %arg3[%dma_wait3A_134, %dma_wait3A_135] : memref<1000000x64xf32, #tpu.memory_space<hbm>> -> memref<1000000x64xf32, #tpu.memory_space<hbm>>
      tpu.wait_indirect_dma semaphore(%arg9 : memref<!tpu.dma_semaphore, #tpu.memory_space<semaphore_mem>>) src(%dma_wait3A_136 : memref<1000000x64xf32, #tpu.memory_space<hbm>>) dst(%arg7 : memref<800x64xf32, #tpu.memory_space<vmem>>)
      %scan3A_137 = arith.constant 0 : i32
      %scan3A_138 = arith.constant 0 : i32
      %scan3A_139 = arith.constant 800 : i32
      %scan3A_140 = arith.addi %scan3A_138, %scan3A_139 : i32
      %scan3A_141 = arith.constant 4 : i32
      scf.for %scan3A_374 = %scan3A_138 to %scan3A_140 step %scan3A_141  : i32 {
        %get3A = arith.index_cast %scan3A_374 : i32 to index
        %get3A_375 = arith.constant 0 : index
        %get3A_376 = tpu.vector_load %arg7[%get3A, %get3A_375] {strides = array<i32>} : memref<800x64xf32, #tpu.memory_space<vmem>>, vector<1x16xf32>,
        %get3A_377 = vector.shape_cast %get3A_376 : vector<1x16xf32> to vector<16xf32>
        %mul3A_378 = arith.constant 8.000000e+00 : f32
        %mul3A_379 = vector.broadcast %mul3A_378 : f32 to vector<16xf32>
        %mul3A_380 = arith.mulf %get3A_377, %mul3A_379 : vector<16xf32>
        %swap3A = arith.index_cast %scan3A_374 : i32 to index
        %swap3A_381 = arith.constant 0 : index
        %swap3A_382 = tpu.vector_load %arg7[%swap3A, %swap3A_381] {strides = array<i32>} : memref<800x64xf32, #tpu.memory_space<vmem>>, vector<1x16xf32>,
        %swap3A_383 = vector.shape_cast %swap3A_382 : vector<1x16xf32> to vector<16xf32>
        %swap3A_384 = vector.shape_cast %mul3A_380 : vector<16xf32> to vector<1x16xf32>
        tpu.vector_store %arg7[%swap3A, %swap3A_381], %swap3A_384 {strides = array<i32>} : memref<800x64xf32, #tpu.memory_space<vmem>>, vector<1x16xf32>,
        %get3A_385 = arith.index_cast %scan3A_374 : i32 to index
        %get3A_386 = arith.constant 16 : index
        %get3A_387 = tpu.vector_load %arg7[%get3A_385, %get3A_386] {strides = array<i32>} : memref<800x64xf32, #tpu.memory_space<vmem>>, vector<1x16xf32>,
        %get3A_388 = vector.shape_cast %get3A_387 : vector<1x16xf32> to vector<16xf32>
        %mul3A_389 = arith.constant 8.000000e+00 : f32
        %mul3A_390 = vector.broadcast %mul3A_389 : f32 to vector<16xf32>
        %mul3A_391 = arith.mulf %get3A_388, %mul3A_390 : vector<16xf32>
        %swap3A_392 = arith.index_cast %scan3A_374 : i32 to index
        %swap3A_393 = arith.constant 16 : index
        %swap3A_394 = tpu.vector_load %arg7[%swap3A_392, %swap3A_393] {strides = array<i32>} : memref<800x64xf32, #tpu.memory_space<vmem>>, vector<1x16xf32>,
        %swap3A_395 = vector.shape_cast %swap3A_394 : vector<1x16xf32> to vector<16xf32>
        %swap3A_396 = vector.shape_cast %mul3A_391 : vector<16xf32> to vector<1x16xf32>
        tpu.vector_store %arg7[%swap3A_392, %swap3A_393], %swap3A_396 {strides = array<i32>} : memref<800x64xf32, #tpu.memory_space<vmem>>, vector<1x16xf32>,
        %get3A_397 = arith.index_cast %scan3A_374 : i32 to index
        %get3A_398 = arith.constant 32 : index
        %get3A_399 = tpu.vector_load %arg7[%get3A_397, %get3A_398] {strides = array<i32>} : memref<800x64xf32, #tpu.memory_space<vmem>>, vector<1x16xf32>,
        %get3A_400 = vector.shape_cast %get3A_399 : vector<1x16xf32> to vector<16xf32>
        %mul3A_401 = arith.constant 8.000000e+00 : f32
        %mul3A_402 = vector.broadcast %mul3A_401 : f32 to vector<16xf32>
        %mul3A_403 = arith.mulf %get3A_400, %mul3A_402 : vector<16xf32>
        %swap3A_404 = arith.index_cast %scan3A_374 : i32 to index
        %swap3A_405 = arith.constant 32 : index
        %swap3A_406 = tpu.vector_load %arg7[%swap3A_404, %swap3A_405] {strides = array<i32>} : memref<800x64xf32, #tpu.memory_space<vmem>>, vector<1x16xf32>,
        %swap3A_407 = vector.shape_cast %swap3A_406 : vector<1x16xf32> to vector<16xf32>
        %swap3A_408 = vector.shape_cast %mul3A_403 : vector<16xf32> to vector<1x16xf32>
        tpu.vector_store %arg7[%swap3A_404, %swap3A_405], %swap3A_408 {strides = array<i32>} : memref<800x64xf32, #tpu.memory_space<vmem>>, vector<1x16xf32>,
        %get3A_409 = arith.index_cast %scan3A_374 : i32 to index
        %get3A_410 = arith.constant 48 : index
        %get3A_411 = tpu.vector_load %arg7[%get3A_409, %get3A_410] {strides = array<i32>} : memref<800x64xf32, #tpu.memory_space<vmem>>, vector<1x16xf32>,
        %get3A_412 = vector.shape_cast %get3A_411 : vector<1x16xf32> to vector<16xf32>
        %mul3A_413 = arith.constant 8.000000e+00 : f32
        %mul3A_414 = vector.broadcast %mul3A_413 : f32 to vector<16xf32>
        %mul3A_415 = arith.mulf %get3A_412, %mul3A_414 : vector<16xf32>
        %swap3A_416 = arith.index_cast %scan3A_374 : i32 to index
        %swap3A_417 = arith.constant 48 : index
        %swap3A_418 = tpu.vector_load %arg7[%swap3A_416, %swap3A_417] {strides = array<i32>} : memref<800x64xf32, #tpu.memory_space<vmem>>, vector<1x16xf32>,
        %swap3A_419 = vector.shape_cast %swap3A_418 : vector<1x16xf32> to vector<16xf32>
        %swap3A_420 = vector.shape_cast %mul3A_415 : vector<16xf32> to vector<1x16xf32>
        tpu.vector_store %arg7[%swap3A_416, %swap3A_417], %swap3A_420 {strides = array<i32>} : memref<800x64xf32, #tpu.memory_space<vmem>>, vector<1x16xf32>,
        %scan3A_421 = arith.constant 1 : i32
        %scan3A_422 = arith.addi %scan3A_374, %scan3A_421 : i32
        %get3A_423 = arith.index_cast %scan3A_422 : i32 to index
        %get3A_424 = arith.constant 0 : index
        %get3A_425 = tpu.vector_load %arg7[%get3A_423, %get3A_424] {strides = array<i32>} : memref<800x64xf32, #tpu.memory_space<vmem>>, vector<1x16xf32>,
        %get3A_426 = vector.shape_cast %get3A_425 : vector<1x16xf32> to vector<16xf32>
        %mul3A_427 = arith.constant 8.000000e+00 : f32
        %mul3A_428 = vector.broadcast %mul3A_427 : f32 to vector<16xf32>
        %mul3A_429 = arith.mulf %get3A_426, %mul3A_428 : vector<16xf32>
        %swap3A_430 = arith.index_cast %scan3A_422 : i32 to index
        %swap3A_431 = arith.constant 0 : index
        %swap3A_432 = tpu.vector_load %arg7[%swap3A_430, %swap3A_431] {strides = array<i32>} : memref<800x64xf32, #tpu.memory_space<vmem>>, vector<1x16xf32>,
        %swap3A_433 = vector.shape_cast %swap3A_432 : vector<1x16xf32> to vector<16xf32>
        %swap3A_434 = vector.shape_cast %mul3A_429 : vector<16xf32> to vector<1x16xf32>
        tpu.vector_store %arg7[%swap3A_430, %swap3A_431], %swap3A_434 {strides = array<i32>} : memref<800x64xf32, #tpu.memory_space<vmem>>, vector<1x16xf32>,
        %get3A_435 = arith.index_cast %scan3A_422 : i32 to index
        %get3A_436 = arith.constant 16 : index
        %get3A_437 = tpu.vector_load %arg7[%get3A_435, %get3A_436] {strides = array<i32>} : memref<800x64xf32, #tpu.memory_space<vmem>>, vector<1x16xf32>,
        %get3A_438 = vector.shape_cast %get3A_437 : vector<1x16xf32> to vector<16xf32>
        %mul3A_439 = arith.constant 8.000000e+00 : f32
        %mul3A_440 = vector.broadcast %mul3A_439 : f32 to vector<16xf32>
        %mul3A_441 = arith.mulf %get3A_438, %mul3A_440 : vector<16xf32>
        %swap3A_442 = arith.index_cast %scan3A_422 : i32 to index
        %swap3A_443 = arith.constant 16 : index
        %swap3A_444 = tpu.vector_load %arg7[%swap3A_442, %swap3A_443] {strides = array<i32>} : memref<800x64xf32, #tpu.memory_space<vmem>>, vector<1x16xf32>,
        %swap3A_445 = vector.shape_cast %swap3A_444 : vector<1x16xf32> to vector<16xf32>
        %swap3A_446 = vector.shape_cast %mul3A_441 : vector<16xf32> to vector<1x16xf32>
        tpu.vector_store %arg7[%swap3A_442, %swap3A_443], %swap3A_446 {strides = array<i32>} : memref<800x64xf32, #tpu.memory_space<vmem>>, vector<1x16xf32>,
        %get3A_447 = arith.index_cast %scan3A_422 : i32 to index
        %get3A_448 = arith.constant 32 : index
        %get3A_449 = tpu.vector_load %arg7[%get3A_447, %get3A_448] {strides = array<i32>} : memref<800x64xf32, #tpu.memory_space<vmem>>, vector<1x16xf32>,
        %get3A_450 = vector.shape_cast %get3A_449 : vector<1x16xf32> to vector<16xf32>
        %mul3A_451 = arith.constant 8.000000e+00 : f32
        %mul3A_452 = vector.broadcast %mul3A_451 : f32 to vector<16xf32>
        %mul3A_453 = arith.mulf %get3A_450, %mul3A_452 : vector<16xf32>
        %swap3A_454 = arith.index_cast %scan3A_422 : i32 to index
        %swap3A_455 = arith.constant 32 : index
        %swap3A_456 = tpu.vector_load %arg7[%swap3A_454, %swap3A_455] {strides = array<i32>} : memref<800x64xf32, #tpu.memory_space<vmem>>, vector<1x16xf32>,
        %swap3A_457 = vector.shape_cast %swap3A_456 : vector<1x16xf32> to vector<16xf32>
        %swap3A_458 = vector.shape_cast %mul3A_453 : vector<16xf32> to vector<1x16xf32>
        tpu.vector_store %arg7[%swap3A_454, %swap3A_455], %swap3A_458 {strides = array<i32>} : memref<800x64xf32, #tpu.memory_space<vmem>>, vector<1x16xf32>,
        %get3A_459 = arith.index_cast %scan3A_422 : i32 to index
        %get3A_460 = arith.constant 48 : index
        %get3A_461 = tpu.vector_load %arg7[%get3A_459, %get3A_460] {strides = array<i32>} : memref<800x64xf32, #tpu.memory_space<vmem>>, vector<1x16xf32>,
        %get3A_462 = vector.shape_cast %get3A_461 : vector<1x16xf32> to vector<16xf32>
        %mul3A_463 = arith.constant 8.000000e+00 : f32
        %mul3A_464 = vector.broadcast %mul3A_463 : f32 to vector<16xf32>
        %mul3A_465 = arith.mulf %get3A_462, %mul3A_464 : vector<16xf32>
        %swap3A_466 = arith.index_cast %scan3A_422 : i32 to index
        %swap3A_467 = arith.constant 48 : index
        %swap3A_468 = tpu.vector_load %arg7[%swap3A_466, %swap3A_467] {strides = array<i32>} : memref<800x64xf32, #tpu.memory_space<vmem>>, vector<1x16xf32>,
        %swap3A_469 = vector.shape_cast %swap3A_468 : vector<1x16xf32> to vector<16xf32>
        %swap3A_470 = vector.shape_cast %mul3A_465 : vector<16xf32> to vector<1x16xf32>
        tpu.vector_store %arg7[%swap3A_466, %swap3A_467], %swap3A_470 {strides = array<i32>} : memref<800x64xf32, #tpu.memory_space<vmem>>, vector<1x16xf32>,
        %scan3A_471 = arith.constant 2 : i32
        %scan3A_472 = arith.addi %scan3A_374, %scan3A_471 : i32
        %get3A_473 = arith.index_cast %scan3A_472 : i32 to index
        %get3A_474 = arith.constant 0 : index
        %get3A_475 = tpu.vector_load %arg7[%get3A_473, %get3A_474] {strides = array<i32>} : memref<800x64xf32, #tpu.memory_space<vmem>>, vector<1x16xf32>,
        %get3A_476 = vector.shape_cast %get3A_475 : vector<1x16xf32> to vector<16xf32>
        %mul3A_477 = arith.constant 8.000000e+00 : f32
        %mul3A_478 = vector.broadcast %mul3A_477 : f32 to vector<16xf32>
        %mul3A_479 = arith.mulf %get3A_476, %mul3A_478 : vector<16xf32>
        %swap3A_480 = arith.index_cast %scan3A_472 : i32 to index
        %swap3A_481 = arith.constant 0 : index
        %swap3A_482 = tpu.vector_load %arg7[%swap3A_480, %swap3A_481] {strides = array<i32>} : memref<800x64xf32, #tpu.memory_space<vmem>>, vector<1x16xf32>,
        %swap3A_483 = vector.shape_cast %swap3A_482 : vector<1x16xf32> to vector<16xf32>
        %swap3A_484 = vector.shape_cast %mul3A_479 : vector<16xf32> to vector<1x16xf32>
        tpu.vector_store %arg7[%swap3A_480, %swap3A_481], %swap3A_484 {strides = array<i32>} : memref<800x64xf32, #tpu.memory_space<vmem>>, vector<1x16xf32>,
        %get3A_485 = arith.index_cast %scan3A_472 : i32 to index
        %get3A_486 = arith.constant 16 : index
        %get3A_487 = tpu.vector_load %arg7[%get3A_485, %get3A_486] {strides = array<i32>} : memref<800x64xf32, #tpu.memory_space<vmem>>, vector<1x16xf32>,
        %get3A_488 = vector.shape_cast %get3A_487 : vector<1x16xf32> to vector<16xf32>
        %mul3A_489 = arith.constant 8.000000e+00 : f32
        %mul3A_490 = vector.broadcast %mul3A_489 : f32 to vector<16xf32>
        %mul3A_491 = arith.mulf %get3A_488, %mul3A_490 : vector<16xf32>
        %swap3A_492 = arith.index_cast %scan3A_472 : i32 to index
        %swap3A_493 = arith.constant 16 : index
        %swap3A_494 = tpu.vector_load %arg7[%swap3A_492, %swap3A_493] {strides = array<i32>} : memref<800x64xf32, #tpu.memory_space<vmem>>, vector<1x16xf32>,
        %swap3A_495 = vector.shape_cast %swap3A_494 : vector<1x16xf32> to vector<16xf32>
        %swap3A_496 = vector.shape_cast %mul3A_491 : vector<16xf32> to vector<1x16xf32>
        tpu.vector_store %arg7[%swap3A_492, %swap3A_493], %swap3A_496 {strides = array<i32>} : memref<800x64xf32, #tpu.memory_space<vmem>>, vector<1x16xf32>,
        %get3A_497 = arith.index_cast %scan3A_472 : i32 to index
        %get3A_498 = arith.constant 32 : index
        %get3A_499 = tpu.vector_load %arg7[%get3A_497, %get3A_498] {strides = array<i32>} : memref<800x64xf32, #tpu.memory_space<vmem>>, vector<1x16xf32>,
        %get3A_500 = vector.shape_cast %get3A_499 : vector<1x16xf32> to vector<16xf32>
        %mul3A_501 = arith.constant 8.000000e+00 : f32
        %mul3A_502 = vector.broadcast %mul3A_501 : f32 to vector<16xf32>
        %mul3A_503 = arith.mulf %get3A_500, %mul3A_502 : vector<16xf32>
        %swap3A_504 = arith.index_cast %scan3A_472 : i32 to index
        %swap3A_505 = arith.constant 32 : index
        %swap3A_506 = tpu.vector_load %arg7[%swap3A_504, %swap3A_505] {strides = array<i32>} : memref<800x64xf32, #tpu.memory_space<vmem>>, vector<1x16xf32>,
        %swap3A_507 = vector.shape_cast %swap3A_506 : vector<1x16xf32> to vector<16xf32>
        %swap3A_508 = vector.shape_cast %mul3A_503 : vector<16xf32> to vector<1x16xf32>
        tpu.vector_store %arg7[%swap3A_504, %swap3A_505], %swap3A_508 {strides = array<i32>} : memref<800x64xf32, #tpu.memory_space<vmem>>, vector<1x16xf32>,
        %get3A_509 = arith.index_cast %scan3A_472 : i32 to index
        %get3A_510 = arith.constant 48 : index
        %get3A_511 = tpu.vector_load %arg7[%get3A_509, %get3A_510] {strides = array<i32>} : memref<800x64xf32, #tpu.memory_space<vmem>>, vector<1x16xf32>,
        %get3A_512 = vector.shape_cast %get3A_511 : vector<1x16xf32> to vector<16xf32>
        %mul3A_513 = arith.constant 8.000000e+00 : f32
        %mul3A_514 = vector.broadcast %mul3A_513 : f32 to vector<16xf32>
        %mul3A_515 = arith.mulf %get3A_512, %mul3A_514 : vector<16xf32>
        %swap3A_516 = arith.index_cast %scan3A_472 : i32 to index
        %swap3A_517 = arith.constant 48 : index
        %swap3A_518 = tpu.vector_load %arg7[%swap3A_516, %swap3A_517] {strides = array<i32>} : memref<800x64xf32, #tpu.memory_space<vmem>>, vector<1x16xf32>,
        %swap3A_519 = vector.shape_cast %swap3A_518 : vector<1x16xf32> to vector<16xf32>
        %swap3A_520 = vector.shape_cast %mul3A_515 : vector<16xf32> to vector<1x16xf32>
        tpu.vector_store %arg7[%swap3A_516, %swap3A_517], %swap3A_520 {strides = array<i32>} : memref<800x64xf32, #tpu.memory_space<vmem>>, vector<1x16xf32>,
        %scan3A_521 = arith.constant 3 : i32
        %scan3A_522 = arith.addi %scan3A_374, %scan3A_521 : i32
        %get3A_523 = arith.index_cast %scan3A_522 : i32 to index
        %get3A_524 = arith.constant 0 : index
        %get3A_525 = tpu.vector_load %arg7[%get3A_523, %get3A_524] {strides = array<i32>} : memref<800x64xf32, #tpu.memory_space<vmem>>, vector<1x16xf32>,
        %get3A_526 = vector.shape_cast %get3A_525 : vector<1x16xf32> to vector<16xf32>
        %mul3A_527 = arith.constant 8.000000e+00 : f32
        %mul3A_528 = vector.broadcast %mul3A_527 : f32 to vector<16xf32>
        %mul3A_529 = arith.mulf %get3A_526, %mul3A_528 : vector<16xf32>
        %swap3A_530 = arith.index_cast %scan3A_522 : i32 to index
        %swap3A_531 = arith.constant 0 : index
        %swap3A_532 = tpu.vector_load %arg7[%swap3A_530, %swap3A_531] {strides = array<i32>} : memref<800x64xf32, #tpu.memory_space<vmem>>, vector<1x16xf32>,
        %swap3A_533 = vector.shape_cast %swap3A_532 : vector<1x16xf32> to vector<16xf32>
        %swap3A_534 = vector.shape_cast %mul3A_529 : vector<16xf32> to vector<1x16xf32>
        tpu.vector_store %arg7[%swap3A_530, %swap3A_531], %swap3A_534 {strides = array<i32>} : memref<800x64xf32, #tpu.memory_space<vmem>>, vector<1x16xf32>,
        %get3A_535 = arith.index_cast %scan3A_522 : i32 to index
        %get3A_536 = arith.constant 16 : index
        %get3A_537 = tpu.vector_load %arg7[%get3A_535, %get3A_536] {strides = array<i32>} : memref<800x64xf32, #tpu.memory_space<vmem>>, vector<1x16xf32>,
        %get3A_538 = vector.shape_cast %get3A_537 : vector<1x16xf32> to vector<16xf32>
        %mul3A_539 = arith.constant 8.000000e+00 : f32
        %mul3A_540 = vector.broadcast %mul3A_539 : f32 to vector<16xf32>
        %mul3A_541 = arith.mulf %get3A_538, %mul3A_540 : vector<16xf32>
        %swap3A_542 = arith.index_cast %scan3A_522 : i32 to index
        %swap3A_543 = arith.constant 16 : index
        %swap3A_544 = tpu.vector_load %arg7[%swap3A_542, %swap3A_543] {strides = array<i32>} : memref<800x64xf32, #tpu.memory_space<vmem>>, vector<1x16xf32>,
        %swap3A_545 = vector.shape_cast %swap3A_544 : vector<1x16xf32> to vector<16xf32>
        %swap3A_546 = vector.shape_cast %mul3A_541 : vector<16xf32> to vector<1x16xf32>
        tpu.vector_store %arg7[%swap3A_542, %swap3A_543], %swap3A_546 {strides = array<i32>} : memref<800x64xf32, #tpu.memory_space<vmem>>, vector<1x16xf32>,
        %get3A_547 = arith.index_cast %scan3A_522 : i32 to index
        %get3A_548 = arith.constant 32 : index
        %get3A_549 = tpu.vector_load %arg7[%get3A_547, %get3A_548] {strides = array<i32>} : memref<800x64xf32, #tpu.memory_space<vmem>>, vector<1x16xf32>,
        %get3A_550 = vector.shape_cast %get3A_549 : vector<1x16xf32> to vector<16xf32>
        %mul3A_551 = arith.constant 8.000000e+00 : f32
        %mul3A_552 = vector.broadcast %mul3A_551 : f32 to vector<16xf32>
        %mul3A_553 = arith.mulf %get3A_550, %mul3A_552 : vector<16xf32>
        %swap3A_554 = arith.index_cast %scan3A_522 : i32 to index
        %swap3A_555 = arith.constant 32 : index
        %swap3A_556 = tpu.vector_load %arg7[%swap3A_554, %swap3A_555] {strides = array<i32>} : memref<800x64xf32, #tpu.memory_space<vmem>>, vector<1x16xf32>,
        %swap3A_557 = vector.shape_cast %swap3A_556 : vector<1x16xf32> to vector<16xf32>
        %swap3A_558 = vector.shape_cast %mul3A_553 : vector<16xf32> to vector<1x16xf32>
        tpu.vector_store %arg7[%swap3A_554, %swap3A_555], %swap3A_558 {strides = array<i32>} : memref<800x64xf32, #tpu.memory_space<vmem>>, vector<1x16xf32>,
        %get3A_559 = arith.index_cast %scan3A_522 : i32 to index
        %get3A_560 = arith.constant 48 : index
        %get3A_561 = tpu.vector_load %arg7[%get3A_559, %get3A_560] {strides = array<i32>} : memref<800x64xf32, #tpu.memory_space<vmem>>, vector<1x16xf32>,
        %get3A_562 = vector.shape_cast %get3A_561 : vector<1x16xf32> to vector<16xf32>
        %mul3A_563 = arith.constant 8.000000e+00 : f32
        %mul3A_564 = vector.broadcast %mul3A_563 : f32 to vector<16xf32>
        %mul3A_565 = arith.mulf %get3A_562, %mul3A_564 : vector<16xf32>
        %swap3A_566 = arith.index_cast %scan3A_522 : i32 to index
        %swap3A_567 = arith.constant 48 : index
        %swap3A_568 = tpu.vector_load %arg7[%swap3A_566, %swap3A_567] {strides = array<i32>} : memref<800x64xf32, #tpu.memory_space<vmem>>, vector<1x16xf32>,
        %swap3A_569 = vector.shape_cast %swap3A_568 : vector<1x16xf32> to vector<16xf32>
        %swap3A_570 = vector.shape_cast %mul3A_565 : vector<16xf32> to vector<1x16xf32>
        tpu.vector_store %arg7[%swap3A_566, %swap3A_567], %swap3A_570 {strides = array<i32>} : memref<800x64xf32, #tpu.memory_space<vmem>>, vector<1x16xf32>,
      }
      %scan3A_142 = arith.constant 800 : i32
      %add3A_143 = arith.constant 1 : i32
      %add3A_144 = arith.addi %mul3A_43, %add3A_143 : i32
      %mul3A_145 = arith.constant 128 : i32
      %mul3A_146 = arith.muli %add3A, %mul3A_145 : i32
      %mul3A_147 = arith.constant 4 : i32
      %mul3A_148 = arith.muli %add3A_144, %mul3A_147 : i32
      %add3A_149 = arith.addi %mul3A_146, %mul3A_148 : i32
      %add3A_150 = arith.constant 0 : i32
      %add3A_151 = arith.addi %add3A_149, %add3A_150 : i32
      %add3A_152 = arith.constant 1 : i32
      %add3A_153 = arith.addi %add3A_149, %add3A_152 : i32
      %add3A_154 = arith.constant 2 : i32
      %add3A_155 = arith.addi %add3A_149, %add3A_154 : i32
      %add3A_156 = arith.constant 3 : i32
      %add3A_157 = arith.addi %add3A_149, %add3A_156 : i32
      %dma_start3A_158 = arith.constant 0 : i32
      %dma_start3A_159 = arith.constant 0 : i32
      %dma_start3A_160 = tpu.memref_slice %arg7[%dma_start3A_158, %dma_start3A_159] : memref<800x64xf32, #tpu.memory_space<vmem>> -> memref<200x64xf32, #tpu.memory_space<vmem>>
      %dma_start3A_161 = arith.constant 0 : i32
      %dma_start3A_162 = arith.constant 0 : i32
      %dma_start3A_163 = tpu.memref_slice %arg4[%add3A_151, %dma_start3A_161, %dma_start3A_162] : memref<4096x200x64xf32, #tpu.memory_space<hbm>> -> memref<1x200x64xf32, #tpu.memory_space<hbm>>
      %dma_start3A_164 = tpu.memref_squeeze %dma_start3A_163 : memref<1x200x64xf32, #tpu.memory_space<hbm>> -> memref<200x64xf32, #tpu.memory_space<hbm>>
      %dma_start3A_165 = arith.constant 0 : i32
      %dma_start3A_166 = arith.constant 0 : i32
      %dma_start3A_167 = tpu.memref_slice %arg4[%add3A_151, %dma_start3A_165, %dma_start3A_166] : memref<4096x200x64xf32, #tpu.memory_space<hbm>> -> memref<1x200x64xf32, #tpu.memory_space<hbm>>
      %dma_start3A_168 = tpu.memref_squeeze %dma_start3A_167 : memref<1x200x64xf32, #tpu.memory_space<hbm>> -> memref<200x64xf32, #tpu.memory_space<hbm>>
      %dma_start3A_169 = arith.constant 0 : i32
      %dma_start3A_170 = arith.constant 0 : i32
      %dma_start3A_171 = tpu.memref_slice %arg7[%dma_start3A_169, %dma_start3A_170] : memref<800x64xf32, #tpu.memory_space<vmem>> -> memref<200x64xf32, #tpu.memory_space<vmem>>
      tpu.enqueue_dma source(%dma_start3A_171 : memref<200x64xf32, #tpu.memory_space<vmem>>) target(%dma_start3A_168 : memref<200x64xf32, #tpu.memory_space<hbm>>) target_semaphore(%arg11 : memref<!tpu.dma_semaphore, #tpu.memory_space<semaphore_mem>>)
      %dma_start3A_172 = arith.constant 200 : i32
      %dma_start3A_173 = arith.constant 0 : i32
      %dma_start3A_174 = tpu.memref_slice %arg7[%dma_start3A_172, %dma_start3A_173] : memref<800x64xf32, #tpu.memory_space<vmem>> -> memref<200x64xf32, #tpu.memory_space<vmem>>
      %dma_start3A_175 = arith.constant 0 : i32
      %dma_start3A_176 = arith.constant 0 : i32
      %dma_start3A_177 = tpu.memref_slice %arg4[%add3A_153, %dma_start3A_175, %dma_start3A_176] : memref<4096x200x64xf32, #tpu.memory_space<hbm>> -> memref<1x200x64xf32, #tpu.memory_space<hbm>>
      %dma_start3A_178 = tpu.memref_squeeze %dma_start3A_177 : memref<1x200x64xf32, #tpu.memory_space<hbm>> -> memref<200x64xf32, #tpu.memory_space<hbm>>
      %dma_start3A_179 = arith.constant 0 : i32
      %dma_start3A_180 = arith.constant 0 : i32
      %dma_start3A_181 = tpu.memref_slice %arg4[%add3A_153, %dma_start3A_179, %dma_start3A_180] : memref<4096x200x64xf32, #tpu.memory_space<hbm>> -> memref<1x200x64xf32, #tpu.memory_space<hbm>>
      %dma_start3A_182 = tpu.memref_squeeze %dma_start3A_181 : memref<1x200x64xf32, #tpu.memory_space<hbm>> -> memref<200x64xf32, #tpu.memory_space<hbm>>
      %dma_start3A_183 = arith.constant 200 : i32
      %dma_start3A_184 = arith.constant 0 : i32
      %dma_start3A_185 = tpu.memref_slice %arg7[%dma_start3A_183, %dma_start3A_184] : memref<800x64xf32, #tpu.memory_space<vmem>> -> memref<200x64xf32, #tpu.memory_space<vmem>>
      tpu.enqueue_dma source(%dma_start3A_185 : memref<200x64xf32, #tpu.memory_space<vmem>>) target(%dma_start3A_182 : memref<200x64xf32, #tpu.memory_space<hbm>>) target_semaphore(%arg11 : memref<!tpu.dma_semaphore, #tpu.memory_space<semaphore_mem>>)
      %dma_start3A_186 = arith.constant 400 : i32
      %dma_start3A_187 = arith.constant 0 : i32
      %dma_start3A_188 = tpu.memref_slice %arg7[%dma_start3A_186, %dma_start3A_187] : memref<800x64xf32, #tpu.memory_space<vmem>> -> memref<200x64xf32, #tpu.memory_space<vmem>>
      %dma_start3A_189 = arith.constant 0 : i32
      %dma_start3A_190 = arith.constant 0 : i32
      %dma_start3A_191 = tpu.memref_slice %arg4[%add3A_155, %dma_start3A_189, %dma_start3A_190] : memref<4096x200x64xf32, #tpu.memory_space<hbm>> -> memref<1x200x64xf32, #tpu.memory_space<hbm>>
      %dma_start3A_192 = tpu.memref_squeeze %dma_start3A_191 : memref<1x200x64xf32, #tpu.memory_space<hbm>> -> memref<200x64xf32, #tpu.memory_space<hbm>>
      %dma_start3A_193 = arith.constant 0 : i32
      %dma_start3A_194 = arith.constant 0 : i32
      %dma_start3A_195 = tpu.memref_slice %arg4[%add3A_155, %dma_start3A_193, %dma_start3A_194] : memref<4096x200x64xf32, #tpu.memory_space<hbm>> -> memref<1x200x64xf32, #tpu.memory_space<hbm>>
      %dma_start3A_196 = tpu.memref_squeeze %dma_start3A_195 : memref<1x200x64xf32, #tpu.memory_space<hbm>> -> memref<200x64xf32, #tpu.memory_space<hbm>>
      %dma_start3A_197 = arith.constant 400 : i32
      %dma_start3A_198 = arith.constant 0 : i32
      %dma_start3A_199 = tpu.memref_slice %arg7[%dma_start3A_197, %dma_start3A_198] : memref<800x64xf32, #tpu.memory_space<vmem>> -> memref<200x64xf32, #tpu.memory_space<vmem>>
      tpu.enqueue_dma source(%dma_start3A_199 : memref<200x64xf32, #tpu.memory_space<vmem>>) target(%dma_start3A_196 : memref<200x64xf32, #tpu.memory_space<hbm>>) target_semaphore(%arg11 : memref<!tpu.dma_semaphore, #tpu.memory_space<semaphore_mem>>)
      %dma_start3A_200 = arith.constant 600 : i32
      %dma_start3A_201 = arith.constant 0 : i32
      %dma_start3A_202 = tpu.memref_slice %arg7[%dma_start3A_200, %dma_start3A_201] : memref<800x64xf32, #tpu.memory_space<vmem>> -> memref<200x64xf32, #tpu.memory_space<vmem>>
      %dma_start3A_203 = arith.constant 0 : i32
      %dma_start3A_204 = arith.constant 0 : i32
      %dma_start3A_205 = tpu.memref_slice %arg4[%add3A_157, %dma_start3A_203, %dma_start3A_204] : memref<4096x200x64xf32, #tpu.memory_space<hbm>> -> memref<1x200x64xf32, #tpu.memory_space<hbm>>
      %dma_start3A_206 = tpu.memref_squeeze %dma_start3A_205 : memref<1x200x64xf32, #tpu.memory_space<hbm>> -> memref<200x64xf32, #tpu.memory_space<hbm>>
      %dma_start3A_207 = arith.constant 0 : i32
      %dma_start3A_208 = arith.constant 0 : i32
      %dma_start3A_209 = tpu.memref_slice %arg4[%add3A_157, %dma_start3A_207, %dma_start3A_208] : memref<4096x200x64xf32, #tpu.memory_space<hbm>> -> memref<1x200x64xf32, #tpu.memory_space<hbm>>
      %dma_start3A_210 = tpu.memref_squeeze %dma_start3A_209 : memref<1x200x64xf32, #tpu.memory_space<hbm>> -> memref<200x64xf32, #tpu.memory_space<hbm>>
      %dma_start3A_211 = arith.constant 600 : i32
      %dma_start3A_212 = arith.constant 0 : i32
      %dma_start3A_213 = tpu.memref_slice %arg7[%dma_start3A_211, %dma_start3A_212] : memref<800x64xf32, #tpu.memory_space<vmem>> -> memref<200x64xf32, #tpu.memory_space<vmem>>
      tpu.enqueue_dma source(%dma_start3A_213 : memref<200x64xf32, #tpu.memory_space<vmem>>) target(%dma_start3A_210 : memref<200x64xf32, #tpu.memory_space<hbm>>) target_semaphore(%arg11 : memref<!tpu.dma_semaphore, #tpu.memory_space<semaphore_mem>>)
      %mul3A_214 = arith.constant 128 : i32
      %mul3A_215 = arith.muli %add3A, %mul3A_214 : i32
      %mul3A_216 = arith.constant 4 : i32
      %mul3A_217 = arith.muli %mul3A_43, %mul3A_216 : i32
      %add3A_218 = arith.addi %mul3A_215, %mul3A_217 : i32
      %add3A_219 = arith.constant 0 : i32
      %add3A_220 = arith.addi %add3A_218, %add3A_219 : i32
      %add3A_221 = arith.constant 1 : i32
      %add3A_222 = arith.addi %add3A_218, %add3A_221 : i32
      %add3A_223 = arith.constant 2 : i32
      %add3A_224 = arith.addi %add3A_218, %add3A_223 : i32
      %add3A_225 = arith.constant 3 : i32
      %add3A_226 = arith.addi %add3A_218, %add3A_225 : i32
      %dma_wait3A_227 = arith.constant 0 : i32
      %dma_wait3A_228 = arith.constant 0 : i32
      %dma_wait3A_229 = tpu.memref_slice %arg6[%dma_wait3A_227, %dma_wait3A_228] : memref<800x64xf32, #tpu.memory_space<vmem>> -> memref<200x64xf32, #tpu.memory_space<vmem>>
      %dma_wait3A_230 = arith.constant 0 : i32
      %dma_wait3A_231 = arith.constant 0 : i32
      %dma_wait3A_232 = tpu.memref_slice %arg4[%add3A_220, %dma_wait3A_230, %dma_wait3A_231] : memref<4096x200x64xf32, #tpu.memory_space<hbm>> -> memref<1x200x64xf32, #tpu.memory_space<hbm>>
      %dma_wait3A_233 = tpu.memref_squeeze %dma_wait3A_232 : memref<1x200x64xf32, #tpu.memory_space<hbm>> -> memref<200x64xf32, #tpu.memory_space<hbm>>
      %dma_wait3A_234 = arith.constant 0 : i32
      %dma_wait3A_235 = arith.constant 0 : i32
      %dma_wait3A_236 = tpu.memref_slice %arg4[%add3A_220, %dma_wait3A_234, %dma_wait3A_235] : memref<4096x200x64xf32, #tpu.memory_space<hbm>> -> memref<1x200x64xf32, #tpu.memory_space<hbm>>
      %dma_wait3A_237 = tpu.memref_squeeze %dma_wait3A_236 : memref<1x200x64xf32, #tpu.memory_space<hbm>> -> memref<200x64xf32, #tpu.memory_space<hbm>>
      %dma_wait3A_238 = arith.constant 0 : i32
      %dma_wait3A_239 = arith.constant 0 : i32
      %dma_wait3A_240 = tpu.memref_slice %arg6[%dma_wait3A_238, %dma_wait3A_239] : memref<800x64xf32, #tpu.memory_space<vmem>> -> memref<200x64xf32, #tpu.memory_space<vmem>>
      tpu.wait_dma2 semaphore(%arg10 : memref<!tpu.dma_semaphore, #tpu.memory_space<semaphore_mem>>) src(%dma_wait3A_240 : memref<200x64xf32, #tpu.memory_space<vmem>>) dst(%dma_wait3A_237 : memref<200x64xf32, #tpu.memory_space<hbm>>)
      %dma_wait3A_241 = arith.constant 200 : i32
      %dma_wait3A_242 = arith.constant 0 : i32
      %dma_wait3A_243 = tpu.memref_slice %arg6[%dma_wait3A_241, %dma_wait3A_242] : memref<800x64xf32, #tpu.memory_space<vmem>> -> memref<200x64xf32, #tpu.memory_space<vmem>>
      %dma_wait3A_244 = arith.constant 0 : i32
      %dma_wait3A_245 = arith.constant 0 : i32
      %dma_wait3A_246 = tpu.memref_slice %arg4[%add3A_222, %dma_wait3A_244, %dma_wait3A_245] : memref<4096x200x64xf32, #tpu.memory_space<hbm>> -> memref<1x200x64xf32, #tpu.memory_space<hbm>>
      %dma_wait3A_247 = tpu.memref_squeeze %dma_wait3A_246 : memref<1x200x64xf32, #tpu.memory_space<hbm>> -> memref<200x64xf32, #tpu.memory_space<hbm>>
      %dma_wait3A_248 = arith.constant 0 : i32
      %dma_wait3A_249 = arith.constant 0 : i32
      %dma_wait3A_250 = tpu.memref_slice %arg4[%add3A_222, %dma_wait3A_248, %dma_wait3A_249] : memref<4096x200x64xf32, #tpu.memory_space<hbm>> -> memref<1x200x64xf32, #tpu.memory_space<hbm>>
      %dma_wait3A_251 = tpu.memref_squeeze %dma_wait3A_250 : memref<1x200x64xf32, #tpu.memory_space<hbm>> -> memref<200x64xf32, #tpu.memory_space<hbm>>
      %dma_wait3A_252 = arith.constant 200 : i32
      %dma_wait3A_253 = arith.constant 0 : i32
      %dma_wait3A_254 = tpu.memref_slice %arg6[%dma_wait3A_252, %dma_wait3A_253] : memref<800x64xf32, #tpu.memory_space<vmem>> -> memref<200x64xf32, #tpu.memory_space<vmem>>
      tpu.wait_dma2 semaphore(%arg10 : memref<!tpu.dma_semaphore, #tpu.memory_space<semaphore_mem>>) src(%dma_wait3A_254 : memref<200x64xf32, #tpu.memory_space<vmem>>) dst(%dma_wait3A_251 : memref<200x64xf32, #tpu.memory_space<hbm>>)
      %dma_wait3A_255 = arith.constant 400 : i32
      %dma_wait3A_256 = arith.constant 0 : i32
      %dma_wait3A_257 = tpu.memref_slice %arg6[%dma_wait3A_255, %dma_wait3A_256] : memref<800x64xf32, #tpu.memory_space<vmem>> -> memref<200x64xf32, #tpu.memory_space<vmem>>
      %dma_wait3A_258 = arith.constant 0 : i32
      %dma_wait3A_259 = arith.constant 0 : i32
      %dma_wait3A_260 = tpu.memref_slice %arg4[%add3A_224, %dma_wait3A_258, %dma_wait3A_259] : memref<4096x200x64xf32, #tpu.memory_space<hbm>> -> memref<1x200x64xf32, #tpu.memory_space<hbm>>
      %dma_wait3A_261 = tpu.memref_squeeze %dma_wait3A_260 : memref<1x200x64xf32, #tpu.memory_space<hbm>> -> memref<200x64xf32, #tpu.memory_space<hbm>>
      %dma_wait3A_262 = arith.constant 0 : i32
      %dma_wait3A_263 = arith.constant 0 : i32
      %dma_wait3A_264 = tpu.memref_slice %arg4[%add3A_224, %dma_wait3A_262, %dma_wait3A_263] : memref<4096x200x64xf32, #tpu.memory_space<hbm>> -> memref<1x200x64xf32, #tpu.memory_space<hbm>>
      %dma_wait3A_265 = tpu.memref_squeeze %dma_wait3A_264 : memref<1x200x64xf32, #tpu.memory_space<hbm>> -> memref<200x64xf32, #tpu.memory_space<hbm>>
      %dma_wait3A_266 = arith.constant 400 : i32
      %dma_wait3A_267 = arith.constant 0 : i32
      %dma_wait3A_268 = tpu.memref_slice %arg6[%dma_wait3A_266, %dma_wait3A_267] : memref<800x64xf32, #tpu.memory_space<vmem>> -> memref<200x64xf32, #tpu.memory_space<vmem>>
      tpu.wait_dma2 semaphore(%arg10 : memref<!tpu.dma_semaphore, #tpu.memory_space<semaphore_mem>>) src(%dma_wait3A_268 : memref<200x64xf32, #tpu.memory_space<vmem>>) dst(%dma_wait3A_265 : memref<200x64xf32, #tpu.memory_space<hbm>>)
      %dma_wait3A_269 = arith.constant 600 : i32
      %dma_wait3A_270 = arith.constant 0 : i32
      %dma_wait3A_271 = tpu.memref_slice %arg6[%dma_wait3A_269, %dma_wait3A_270] : memref<800x64xf32, #tpu.memory_space<vmem>> -> memref<200x64xf32, #tpu.memory_space<vmem>>
      %dma_wait3A_272 = arith.constant 0 : i32
      %dma_wait3A_273 = arith.constant 0 : i32
      %dma_wait3A_274 = tpu.memref_slice %arg4[%add3A_226, %dma_wait3A_272, %dma_wait3A_273] : memref<4096x200x64xf32, #tpu.memory_space<hbm>> -> memref<1x200x64xf32, #tpu.memory_space<hbm>>
      %dma_wait3A_275 = tpu.memref_squeeze %dma_wait3A_274 : memref<1x200x64xf32, #tpu.memory_space<hbm>> -> memref<200x64xf32, #tpu.memory_space<hbm>>
      %dma_wait3A_276 = arith.constant 0 : i32
      %dma_wait3A_277 = arith.constant 0 : i32
      %dma_wait3A_278 = tpu.memref_slice %arg4[%add3A_226, %dma_wait3A_276, %dma_wait3A_277] : memref<4096x200x64xf32, #tpu.memory_space<hbm>> -> memref<1x200x64xf32, #tpu.memory_space<hbm>>
      %dma_wait3A_279 = tpu.memref_squeeze %dma_wait3A_278 : memref<1x200x64xf32, #tpu.memory_space<hbm>> -> memref<200x64xf32, #tpu.memory_space<hbm>>
      %dma_wait3A_280 = arith.constant 600 : i32
      %dma_wait3A_281 = arith.constant 0 : i32
      %dma_wait3A_282 = tpu.memref_slice %arg6[%dma_wait3A_280, %dma_wait3A_281] : memref<800x64xf32, #tpu.memory_space<vmem>> -> memref<200x64xf32, #tpu.memory_space<vmem>>
      tpu.wait_dma2 semaphore(%arg10 : memref<!tpu.dma_semaphore, #tpu.memory_space<semaphore_mem>>) src(%dma_wait3A_282 : memref<200x64xf32, #tpu.memory_space<vmem>>) dst(%dma_wait3A_279 : memref<200x64xf32, #tpu.memory_space<hbm>>)
      %add3A_283 = arith.constant 2 : i32
      %add3A_284 = arith.addi %mul3A_43, %add3A_283 : i32
      %min3A_285 = arith.constant 31 : i32
      %min3A_286 = arith.minsi %add3A_284, %min3A_285 : i32
      %mul3A_287 = arith.constant 800 : i32
      %mul3A_288 = arith.muli %min3A_286, %mul3A_287 : i32
      %dma_start3A_289 = tpu.memref_slice %arg5[%mul3A_288] : memref<25600xi32, #tpu.memory_space<vmem>> -> memref<800xi32, #tpu.memory_space<vmem>>
      %dma_start3A_290 = arith.constant 0 : i32
      %dma_start3A_291 = arith.constant 0 : i32
      %dma_start3A_292 = tpu.memref_slice %arg3[%dma_start3A_290, %dma_start3A_291] : memref<1000000x64xf32, #tpu.memory_space<hbm>> -> memref<1000000x64xf32, #tpu.memory_space<hbm>>
      tpu.enqueue_indirect_dma source(%dma_start3A_292 : memref<1000000x64xf32, #tpu.memory_space<hbm>>) target(%arg6 : memref<800x64xf32, #tpu.memory_space<vmem>>) offsets(%dma_start3A_289 : memref<800xi32, #tpu.memory_space<vmem>>) semaphore(%arg8 : memref<!tpu.dma_semaphore, #tpu.memory_space<semaphore_mem>>)
      %add3A_293 = arith.constant 1 : i32
      %add3A_294 = arith.addi %mul3A_43, %add3A_293 : i32
      %mul3A_295 = arith.constant 128 : i32
      %mul3A_296 = arith.muli %add3A, %mul3A_295 : i32
      %mul3A_297 = arith.constant 4 : i32
      %mul3A_298 = arith.muli %add3A_294, %mul3A_297 : i32
      %add3A_299 = arith.addi %mul3A_296, %mul3A_298 : i32
      %add3A_300 = arith.constant 0 : i32
      %add3A_301 = arith.addi %add3A_299, %add3A_300 : i32
      %add3A_302 = arith.constant 1 : i32
      %add3A_303 = arith.addi %add3A_299, %add3A_302 : i32
      %add3A_304 = arith.constant 2 : i32
      %add3A_305 = arith.addi %add3A_299, %add3A_304 : i32
      %add3A_306 = arith.constant 3 : i32
      %add3A_307 = arith.addi %add3A_299, %add3A_306 : i32
      %dma_wait3A_308 = arith.constant 0 : i32
      %dma_wait3A_309 = arith.constant 0 : i32
      %dma_wait3A_310 = tpu.memref_slice %arg7[%dma_wait3A_308, %dma_wait3A_309] : memref<800x64xf32, #tpu.memory_space<vmem>> -> memref<200x64xf32, #tpu.memory_space<vmem>>
      %dma_wait3A_311 = arith.constant 0 : i32
      %dma_wait3A_312 = arith.constant 0 : i32
      %dma_wait3A_313 = tpu.memref_slice %arg4[%add3A_301, %dma_wait3A_311, %dma_wait3A_312] : memref<4096x200x64xf32, #tpu.memory_space<hbm>> -> memref<1x200x64xf32, #tpu.memory_space<hbm>>
      %dma_wait3A_314 = tpu.memref_squeeze %dma_wait3A_313 : memref<1x200x64xf32, #tpu.memory_space<hbm>> -> memref<200x64xf32, #tpu.memory_space<hbm>>
      %dma_wait3A_315 = arith.constant 0 : i32
      %dma_wait3A_316 = arith.constant 0 : i32
      %dma_wait3A_317 = tpu.memref_slice %arg4[%add3A_301, %dma_wait3A_315, %dma_wait3A_316] : memref<4096x200x64xf32, #tpu.memory_space<hbm>> -> memref<1x200x64xf32, #tpu.memory_space<hbm>>
      %dma_wait3A_318 = tpu.memref_squeeze %dma_wait3A_317 : memref<1x200x64xf32, #tpu.memory_space<hbm>> -> memref<200x64xf32, #tpu.memory_space<hbm>>
      %dma_wait3A_319 = arith.constant 0 : i32
      %dma_wait3A_320 = arith.constant 0 : i32
      %dma_wait3A_321 = tpu.memref_slice %arg7[%dma_wait3A_319, %dma_wait3A_320] : memref<800x64xf32, #tpu.memory_space<vmem>> -> memref<200x64xf32, #tpu.memory_space<vmem>>
      tpu.wait_dma2 semaphore(%arg11 : memref<!tpu.dma_semaphore, #tpu.memory_space<semaphore_mem>>) src(%dma_wait3A_321 : memref<200x64xf32, #tpu.memory_space<vmem>>) dst(%dma_wait3A_318 : memref<200x64xf32, #tpu.memory_space<hbm>>)
      %dma_wait3A_322 = arith.constant 200 : i32
      %dma_wait3A_323 = arith.constant 0 : i32
      %dma_wait3A_324 = tpu.memref_slice %arg7[%dma_wait3A_322, %dma_wait3A_323] : memref<800x64xf32, #tpu.memory_space<vmem>> -> memref<200x64xf32, #tpu.memory_space<vmem>>
      %dma_wait3A_325 = arith.constant 0 : i32
      %dma_wait3A_326 = arith.constant 0 : i32
      %dma_wait3A_327 = tpu.memref_slice %arg4[%add3A_303, %dma_wait3A_325, %dma_wait3A_326] : memref<4096x200x64xf32, #tpu.memory_space<hbm>> -> memref<1x200x64xf32, #tpu.memory_space<hbm>>
      %dma_wait3A_328 = tpu.memref_squeeze %dma_wait3A_327 : memref<1x200x64xf32, #tpu.memory_space<hbm>> -> memref<200x64xf32, #tpu.memory_space<hbm>>
      %dma_wait3A_329 = arith.constant 0 : i32
      %dma_wait3A_330 = arith.constant 0 : i32
      %dma_wait3A_331 = tpu.memref_slice %arg4[%add3A_303, %dma_wait3A_329, %dma_wait3A_330] : memref<4096x200x64xf32, #tpu.memory_space<hbm>> -> memref<1x200x64xf32, #tpu.memory_space<hbm>>
      %dma_wait3A_332 = tpu.memref_squeeze %dma_wait3A_331 : memref<1x200x64xf32, #tpu.memory_space<hbm>> -> memref<200x64xf32, #tpu.memory_space<hbm>>
      %dma_wait3A_333 = arith.constant 200 : i32
      %dma_wait3A_334 = arith.constant 0 : i32
      %dma_wait3A_335 = tpu.memref_slice %arg7[%dma_wait3A_333, %dma_wait3A_334] : memref<800x64xf32, #tpu.memory_space<vmem>> -> memref<200x64xf32, #tpu.memory_space<vmem>>
      tpu.wait_dma2 semaphore(%arg11 : memref<!tpu.dma_semaphore, #tpu.memory_space<semaphore_mem>>) src(%dma_wait3A_335 : memref<200x64xf32, #tpu.memory_space<vmem>>) dst(%dma_wait3A_332 : memref<200x64xf32, #tpu.memory_space<hbm>>)
      %dma_wait3A_336 = arith.constant 400 : i32
      %dma_wait3A_337 = arith.constant 0 : i32
      %dma_wait3A_338 = tpu.memref_slice %arg7[%dma_wait3A_336, %dma_wait3A_337] : memref<800x64xf32, #tpu.memory_space<vmem>> -> memref<200x64xf32, #tpu.memory_space<vmem>>
      %dma_wait3A_339 = arith.constant 0 : i32
      %dma_wait3A_340 = arith.constant 0 : i32
      %dma_wait3A_341 = tpu.memref_slice %arg4[%add3A_305, %dma_wait3A_339, %dma_wait3A_340] : memref<4096x200x64xf32, #tpu.memory_space<hbm>> -> memref<1x200x64xf32, #tpu.memory_space<hbm>>
      %dma_wait3A_342 = tpu.memref_squeeze %dma_wait3A_341 : memref<1x200x64xf32, #tpu.memory_space<hbm>> -> memref<200x64xf32, #tpu.memory_space<hbm>>
      %dma_wait3A_343 = arith.constant 0 : i32
      %dma_wait3A_344 = arith.constant 0 : i32
      %dma_wait3A_345 = tpu.memref_slice %arg4[%add3A_305, %dma_wait3A_343, %dma_wait3A_344] : memref<4096x200x64xf32, #tpu.memory_space<hbm>> -> memref<1x200x64xf32, #tpu.memory_space<hbm>>
      %dma_wait3A_346 = tpu.memref_squeeze %dma_wait3A_345 : memref<1x200x64xf32, #tpu.memory_space<hbm>> -> memref<200x64xf32, #tpu.memory_space<hbm>>
      %dma_wait3A_347 = arith.constant 400 : i32
      %dma_wait3A_348 = arith.constant 0 : i32
      %dma_wait3A_349 = tpu.memref_slice %arg7[%dma_wait3A_347, %dma_wait3A_348] : memref<800x64xf32, #tpu.memory_space<vmem>> -> memref<200x64xf32, #tpu.memory_space<vmem>>
      tpu.wait_dma2 semaphore(%arg11 : memref<!tpu.dma_semaphore, #tpu.memory_space<semaphore_mem>>) src(%dma_wait3A_349 : memref<200x64xf32, #tpu.memory_space<vmem>>) dst(%dma_wait3A_346 : memref<200x64xf32, #tpu.memory_space<hbm>>)
      %dma_wait3A_350 = arith.constant 600 : i32
      %dma_wait3A_351 = arith.constant 0 : i32
      %dma_wait3A_352 = tpu.memref_slice %arg7[%dma_wait3A_350, %dma_wait3A_351] : memref<800x64xf32, #tpu.memory_space<vmem>> -> memref<200x64xf32, #tpu.memory_space<vmem>>
      %dma_wait3A_353 = arith.constant 0 : i32
      %dma_wait3A_354 = arith.constant 0 : i32
      %dma_wait3A_355 = tpu.memref_slice %arg4[%add3A_307, %dma_wait3A_353, %dma_wait3A_354] : memref<4096x200x64xf32, #tpu.memory_space<hbm>> -> memref<1x200x64xf32, #tpu.memory_space<hbm>>
      %dma_wait3A_356 = tpu.memref_squeeze %dma_wait3A_355 : memref<1x200x64xf32, #tpu.memory_space<hbm>> -> memref<200x64xf32, #tpu.memory_space<hbm>>
      %dma_wait3A_357 = arith.constant 0 : i32
      %dma_wait3A_358 = arith.constant 0 : i32
      %dma_wait3A_359 = tpu.memref_slice %arg4[%add3A_307, %dma_wait3A_357, %dma_wait3A_358] : memref<4096x200x64xf32, #tpu.memory_space<hbm>> -> memref<1x200x64xf32, #tpu.memory_space<hbm>>
      %dma_wait3A_360 = tpu.memref_squeeze %dma_wait3A_359 : memref<1x200x64xf32, #tpu.memory_space<hbm>> -> memref<200x64xf32, #tpu.memory_space<hbm>>
      %dma_wait3A_361 = arith.constant 600 : i32
      %dma_wait3A_362 = arith.constant 0 : i32
      %dma_wait3A_363 = tpu.memref_slice %arg7[%dma_wait3A_361, %dma_wait3A_362] : memref<800x64xf32, #tpu.memory_space<vmem>> -> memref<200x64xf32, #tpu.memory_space<vmem>>
      tpu.wait_dma2 semaphore(%arg11 : memref<!tpu.dma_semaphore, #tpu.memory_space<semaphore_mem>>) src(%dma_wait3A_363 : memref<200x64xf32, #tpu.memory_space<vmem>>) dst(%dma_wait3A_360 : memref<200x64xf32, #tpu.memory_space<hbm>>)
      %add3A_364 = arith.constant 3 : i32
      %add3A_365 = arith.addi %mul3A_43, %add3A_364 : i32
      %min3A_366 = arith.constant 31 : i32
      %min3A_367 = arith.minsi %add3A_365, %min3A_366 : i32
      %mul3A_368 = arith.constant 800 : i32
      %mul3A_369 = arith.muli %min3A_367, %mul3A_368 : i32
      %dma_start3A_370 = tpu.memref_slice %arg5[%mul3A_369] : memref<25600xi32, #tpu.memory_space<vmem>> -> memref<800xi32, #tpu.memory_space<vmem>>
      %dma_start3A_371 = arith.constant 0 : i32
      %dma_start3A_372 = arith.constant 0 : i32
      %dma_start3A_373 = tpu.memref_slice %arg3[%dma_start3A_371, %dma_start3A_372] : memref<1000000x64xf32, #tpu.memory_space<hbm>> -> memref<1000000x64xf32, #tpu.memory_space<hbm>>
      tpu.enqueue_indirect_dma source(%dma_start3A_373 : memref<1000000x64xf32, #tpu.memory_space<hbm>>) target(%arg7 : memref<800x64xf32, #tpu.memory_space<vmem>>) offsets(%dma_start3A_370 : memref<800xi32, #tpu.memory_space<vmem>>) semaphore(%arg9 : memref<!tpu.dma_semaphore, #tpu.memory_space<semaphore_mem>>)
    }
    %scan3A_23 = arith.constant 16 : i32
    %min3A_24 = arith.constant 31 : i32
    %min3A_25 = arith.constant 31 : i32
    %min3A_26 = arith.minsi %min3A_24, %min3A_25 : i32
    %mul3A_27 = arith.constant 800 : i32
    %mul3A_28 = arith.muli %min3A_26, %mul3A_27 : i32
    %dma_wait3A = tpu.memref_slice %arg5[%mul3A_28] : memref<25600xi32, #tpu.memory_space<vmem>> -> memref<800xi32, #tpu.memory_space<vmem>>
    %dma_wait3A_29 = arith.constant 0 : i32
    %dma_wait3A_30 = arith.constant 0 : i32
    %dma_wait3A_31 = tpu.memref_slice %arg3[%dma_wait3A_29, %dma_wait3A_30] : memref<1000000x64xf32, #tpu.memory_space<hbm>> -> memref<1000000x64xf32, #tpu.memory_space<hbm>>
    tpu.wait_indirect_dma semaphore(%arg8 : memref<!tpu.dma_semaphore, #tpu.memory_space<semaphore_mem>>) src(%dma_wait3A_31 : memref<1000000x64xf32, #tpu.memory_space<hbm>>) dst(%arg6 : memref<800x64xf32, #tpu.memory_space<vmem>>)
    %min3A_32 = arith.constant 31 : i32
    %min3A_33 = arith.constant 31 : i32
    %min3A_34 = arith.minsi %min3A_32, %min3A_33 : i32
    %mul3A_35 = arith.constant 800 : i32
    %mul3A_36 = arith.muli %min3A_34, %mul3A_35 : i32
    %dma_wait3A_37 = tpu.memref_slice %arg5[%mul3A_36] : memref<25600xi32, #tpu.memory_space<vmem>> -> memref<800xi32, #tpu.memory_space<vmem>>
    %dma_wait3A_38 = arith.constant 0 : i32
    %dma_wait3A_39 = arith.constant 0 : i32
    %dma_wait3A_40 = tpu.memref_slice %arg3[%dma_wait3A_38, %dma_wait3A_39] : memref<1000000x64xf32, #tpu.memory_space<hbm>> -> memref<1000000x64xf32, #tpu.memory_space<hbm>>
    tpu.wait_indirect_dma semaphore(%arg9 : memref<!tpu.dma_semaphore, #tpu.memory_space<semaphore_mem>>) src(%dma_wait3A_40 : memref<1000000x64xf32, #tpu.memory_space<hbm>>) dst(%arg7 : memref<800x64xf32, #tpu.memory_space<vmem>>)
    return
  }
}

</mosaic_0001>

<sc_bundles>
// kernel: kernel.3.cloned.1.call-start
scs
__scs_entry_jumppad:
0x0: {  	(pc) =	sbr.rel $0x88, $3  }
0x1: {  	(tag) =	ssettag $0x0;
	lr =	simm.s32 $0x1  }
0x2: {  	[smem:$0x3F9F] =	sst lr;
	_ =	strace $0xD0000000  }
0x3: {  	_ = 	snop  }
0x4: {  	_ = 	snop  }
0x5: {  	_ = 	snop  }
0x6: {  	_ = 	snop  }
0x7: {  	_ = 	snop  }
__scs_overlays_trampoline_lowered:
0x8: {  	[smem:$0x3FAE] =	sst s0  }
0x9: {  	[smem:$0x3FAF] =	sst s1  }
0xa: {  	[smem:$0x3FB0] =	sst s2  }
0xb: {  	[smem:$0x3FB1] =	sst s3  }
0xc: {  	[smem:$0x3FB2] =	sst s4  }
0xd: {  	[smem:$0x3FB3] =	sst s5  }
0xe: {  	[smem:$0x3FB4] =	sst s6  }
0xf: {  	[smem:$0x3FB5] =	sst s7  }
0x10: {  	[smem:$0x3FB6] =	sst s8  }
0x11: {  	[smem:$0x3FB7] =	sst s9;
	s0 =	simm.s32 @!p0 $0x0  }
0x12: {  	s1 =	sld [smem:$0x3F9D];
	s0 =	simm.s32 @p0 $0x1  }
0x13: {  	[smem:$0x3FB8] =	sst s0;
	s0 =	simm.s32 @!p1 $0x0  }
0x14: {  	s2 =	sld [smem:$0x3F9C];
	s0 =	simm.s32 @p1 $0x1  }
0x15: {  	[smem:$0x3FB9] =	sst s0;
	s0 =	simm.s32 @!p2 $0x0  }
0x16: {  	s3 =	sld [smem:$0x3FDB];
	s0 =	simm.s32 @p2 $0x1  }
0x17: {  	s4 =	simm.s32 $0x1BF5;
	[smem:$0x3FBB] =	sst s0  }
0x18: {  	s0 =	sld [smem:$0x3F9E];
	_ =	swait.ge [sflag:s4], $0x0  }
0x19: {  	s7 =	sld [smem:$0x3F9F]  }
0x1a: {  	s8 =	sadd.s32 $0xFFFFE003, lr  }
0x1b: {  	s9 =	sadd.s32 $0xFFFFFEF7, lr;
	s5 =	simm.s32 $0xFFFFFFFF;
	p2 =	slt.u32 s8, $0xFFFFF086  }
0x1c: {  	p1 =	slt.u32 s9, $0xF7A;
	s5 =	simm.s32 @!p2 $0x0  }
0x1d: {  	s5 =	simm.s32 @p1 $0x1;
	p0 =	seq.s32 s7, s2  }
0x1e: {  	s7 =	smul.u32 @!p0 $0xF7A, s2;
	p2 =	seq.s32 @!p0 s5, $0x0  }
0x1f: {  	s9 =	smul.u32 $0xF7A, s1;
	s8 =	simm.s32 @!p0 $0x1BF5;
	p2 =	por !p2, p0  }
0x20: {  	[sflag:s8] =	ssyncset.s32 @!p0 $0xFFFFF086;
	s6 =	sadd.s32 @!p0 s3, s7;
	s7 =	simm.s32 @!p0 $0x108  }
0x21: {  	s3 =	sadd.s32 s3, s9;
	s6 =	sadd.s32 @!p0 $0x88, s6;
	s7 =	simm.s32 @p2 $0x1082  }
0x22: {  	[simem:s7], [sflag:s8] =	dma.local @!p0 [hbm:s6], $0xF7A  }
0x23: {  	s9 =	sor.u32 $0xD0000000, s2;
	s6 =	simm.s32 $0x108;
	_ =	swait.ge @!p0 [sflag:s8], $0x0  }
0x24: {  	s3 =	sadd.s32 $0x88, s3;
	s6 =	simm.s32 @!p1 $0x1082;
	[sflag:s4] =	ssyncset.s32 $0xFFFFF086  }
0x25: {  	[simem:s6], [sflag:s4] =	dma.local [hbm:s3], $0xF7A  }
0x26: {  	[smem:$0x3F9F] =	sst s1;
	(tag) =	ssettag s2;
	_ =	strace s9  }
0x27: {  	s1 =	sld [smem:$0x3FAF]  }
0x28: {  	s2 =	sld [smem:$0x3FB0]  }
0x29: {  	s4 =	sld [smem:$0x3FB2]  }
0x2a: {  	p0 =	seq.s32 s5, $0x0;
	s5 =	sld [smem:$0x3FB3]  }
0x2b: {  	s6 =	sld [smem:$0x3FB4]  }
0x2c: {  	s7 =	sld [smem:$0x3FB5]  }
0x2d: {  	s3 =	simm.s32 $0x108;
	s8 =	sld [smem:$0x3FB6]  }
0x2e: {  	s3 =	simm.s32 @!p0 $0x1082;
	s9 =	sld [smem:$0x3FB7]  }
0x2f: {  	lr =	sadd.s32 s0, s3;
	s0 =	sld [smem:$0x3FAE]  }
0x30: {  	s3 =	sld [smem:$0x3FB1]  }
0x31: {  	[smem:$0x3FBA] =	sst s10  }
0x32: {  	s10 =	sld [smem:$0x3FB8];
	_ =	sdelay $0x3  }
0x33: {  	p0 =	seq.s32 s10, $0x1;
	s10 =	sld [smem:$0x3FBA];
	_ =	sdelay $0x3  }
0x34: {  	[smem:$0x3FBA] =	sst s10  }
0x35: {  	s10 =	sld [smem:$0x3FB9];
	_ =	sdelay $0x3  }
0x36: {  	p1 =	seq.s32 s10, $0x1;
	s10 =	sld [smem:$0x3FBA];
	_ =	sdelay $0x3  }
0x37: {  	[smem:$0x3FBA] =	sst s10  }
0x38: {  	s10 =	sld [smem:$0x3FBB]  }
0x39: {  	_ = 	snop;
	(pc) =	sbr.ind lr, $3  }
0x3a: {  	_ = 	snop  }
0x3b: {  	_ = 	snop  }
0x3c: {  	p2 =	seq.s32 s10, $0x1;
	s10 =	sld [smem:$0x3FBA]  }
0x3d: {  	_ =	shalt  }
0x3e: {  	_ =	shalt  }
0x3f: {  	_ =	shalt  }
0x40: {  	_ =	shalt  }
0x41: {  	_ =	shalt  }
0x42: {  	_ =	shalt  }
0x43: {  	_ =	shalt  }
0x44: {  	_ =	shalt  }
0x45: {  	_ =	shalt  }
0x46: {  	_ =	shalt  }
0x47: {  	_ =	shalt  }
0x48: {  	_ =	shalt  }
0x49: {  	_ =	shalt  }
0x4a: {  	_ =	shalt  }
0x4b: {  	_ =	shalt  }
0x4c: {  	_ =	shalt  }
0x4d: {  	_ =	shalt  }
0x4e: {  	_ =	shalt  }
0x4f: {  	_ =	shalt  }
0x50: {  	_ =	shalt  }
0x51: {  	_ =	shalt  }
0x52: {  	_ =	shalt  }
0x53: {  	_ =	shalt  }
0x54: {  	_ =	shalt  }
0x55: {  	_ =	shalt  }
0x56: {  	_ =	shalt  }
0x57: {  	_ =	shalt  }
0x58: {  	_ =	shalt  }
0x59: {  	_ =	shalt  }
0x5a: {  	_ =	shalt  }
0x5b: {  	_ =	shalt  }
0x5c: {  	_ =	shalt  }
0x5d: {  	_ =	shalt  }
0x5e: {  	_ =	shalt  }
0x5f: {  	_ =	shalt  }
0x60: {  	_ =	shalt  }
0x61: {  	_ =	shalt  }
0x62: {  	_ =	shalt  }
0x63: {  	_ =	shalt  }
0x64: {  	_ =	shalt  }
0x65: {  	_ =	shalt  }
0x66: {  	_ =	shalt  }
0x67: {  	_ =	shalt  }
0x68: {  	_ =	shalt  }
0x69: {  	_ =	shalt  }
0x6a: {  	_ =	shalt  }
0x6b: {  	_ =	shalt  }
0x6c: {  	_ =	shalt  }
0x6d: {  	_ =	shalt  }
0x6e: {  	_ =	shalt  }
0x6f: {  	_ =	shalt  }
0x70: {  	_ =	shalt  }
0x71: {  	_ =	shalt  }
0x72: {  	_ =	shalt  }
0x73: {  	_ =	shalt  }
0x74: {  	_ =	shalt  }
0x75: {  	_ =	shalt  }
0x76: {  	_ =	shalt  }
0x77: {  	_ =	shalt  }
0x78: {  	_ =	shalt  }
0x79: {  	_ =	shalt  }
0x7a: {  	_ =	shalt  }
0x7b: {  	_ =	shalt  }
0x7c: {  	_ =	shalt  }
0x7d: {  	_ =	shalt  }
0x7e: {  	_ =	shalt  }
0x7f: {  	_ =	shalt  }
0x80: {  	_ =	shalt  }
0x81: {  	_ =	shalt  }
0x82: {  	_ =	shalt  }
0x83: {  	_ =	shalt  }
0x84: {  	_ =	shalt  }
0x85: {  	_ =	shalt  }
0x86: {  	_ =	shalt  }
0x87: {  	_ =	shalt  }
.Lfunc_end0:
.L_simem_size_0:
called_computation.1_lowered:
.L_overlay_start_0:
0x88: {  	s2 =	sld [smem:$0x3FD9]  }
0x89: {  	s3 =	sld [smem:$0x3FFE];
	_ =	sdelay $0x1  }
0x8a: {  	s1 =	srdreg.scid  }
0x8b: {  	s0 =	sand.u32 $0x1, s1  }
0x8c: {  	s17 =	sshll.u32 s0, $0xA;
	s2 =	sadd.s32 s3, s2  }
0x8d: {  	s2 =	sadd.s32 s2, s17  }
0x8e: {  	[smem:$0x3FC6] =	sst s2  }
0x8f: {  	_ = 	snop  }
0x90: {  	s2 =	sld [smem:$0x3FD0];
	(tm) =	ssettm $0x1  }
0x91: {  	s18 =	sld [smem:$0x3FFB];
	_ =	sdelay $0x3  }
0x92: {  	_ =	strace s18  }
0x93: {  	s3 =	sld [smem:$0x3FFC];
	_ =	sdelay $0x3  }
0x94: {  	_ =	strace s3  }
0x95: {  	s3 =	sld [smem:$0x3FFD];
	_ =	sdelay $0x3  }
0x96: {  	_ =	strace s3  }
0x97: {  	_ =	strace $0x8FFFFFFF  }
0x98: {  	s19 =	sld [smem:$0x3FDB];
	_ =	sdelay $0x1  }
0x99: {  	s4 =	simm.s32 $_scs_section_size  }
0x9a: {  	s5 =	simm.s32 $_size__tile_overlayer_lowered;
	s6 =	simm.s32 $_tile_overlayer_lowered  }
0x9b: {  	s22 =	simm.s32 $0x1BFF;
	s21 =	sshll.u32 s6, $0x1;
	s3 =	sadd.s32 s4, s19  }
0x9c: {  	s7 =	simm.s32 $0x0;
	s20 =	sshll.u32 s5, $0x1;
	s5 =	sadd.s32 s21, s3  }
0x9d: {  	[timem:s7], [sflag:s22] =	dma.local [hbm:s5], s20  }
0x9e: {  	_ =	swait.ge [sflag:s22], s20  }
0x9f: {  	s4 =	ssub.s32 $0x0, s20;
	[sflag:s22] =	ssyncset.done $0x0  }
0xa0: {  	[sflag:s22] =	ssyncadd.s32 s4;
	_ =	sdelay $0x1  }
0xa1: {  	s23 =	simm.s32 $0x1B8B  }
0xa2: {  	_ =	swait.ge [sflag:s23], $0x1  }
0xa3: {  	[sflag:s23] =	ssyncset.done $0x0  }
0xa4: {  	s25 =	simm.s32 $0x1B8E;
	s24 =	sld [smem:$0x3FFE];
	[sflag:s23] =	ssyncadd.s32 $0xFFFFFFFF  }
0xa5: {  	s26 =	simm.s32 $execute0_lowered;
	[smem:$0x3FD2] =	sst s25  }
0xa6: {  	s5 =	sshll.u32 s26, $0x1;
	_ =	strace $0x80000046;
	[dreg:$0x1] =	wrdreg $0xFFFFFFFF  }
0xa7: {  	s28 =	simm.s32 $_size_execute0_lowered;
	s3 =	sadd.s32 s3, s5;
	[dreg:$0x0] =	wrdreg $0x0  }
0xa8: {  	s5 =	sshll.u32 s28, $0x1;
	[dreg:$0x2] =	wrdreg s3  }
0xa9: {  	[dreg:$0x3] =	wrdreg s5  }
0xaa: {  	[dreg:$0x4] =	wrdreg $0xC0  }
0xab: {  	_ =	task [dreg:s7], $0x5FFFF  }
0xac: {  	[dreg:$0x1] =	wrdreg $0xFFFFFFFF  }
0xad: {  	[dreg:$0x0] =	wrdreg $0x60  }
0xae: {  	[dreg:$0x2] =	wrdreg s24  }
0xaf: {  	[dreg:$0x3] =	wrdreg s2  }
0xb0: {  	[dreg:$0x4] =	wrdreg $0x9  }
0xb1: {  	_ =	task.clear_ibuf [dreg:s7], $0x5FFFF;
	_ =	strace $0x90000046  }
0xb2: {  	s29 =	simm.s32 $0x9;
	_ =	strace $0x80000048  }
0xb3: {  	_ =	swait.ge [sflag:s29], $0x1  }
0xb4: {  	[sflag:s29] =	ssyncadd.s32 $0xFFFFFFFF  }
0xb5: {  	_ =	strace $0x90000048  }
0xb6: {  	_ =	sfence  }
0xb7: {  	s30 =	sld [smem:$0x0];
	_ =	sdelay $0x2  }
0xb8: {  	s31 =	sshll.u32 s1, $0xD;
	s1 =	sshrl.u32 s1, $0x2  }
0xb9: {  	s3 =	sand.u32 $0x4000, s31;
	s1 =	sadd.s32 s1, s30  }
0xba: {  	s0 =	sor.u32 s3, s0;
	s1 =	sshll.u32 s1, $0x11  }
0xbb: {  	s0 =	sor.u32 s1, s0  }
0xbc: {  	s0 =	sadd.s32 $0x8F2B, s0  }
0xbd: {  	[sflag:s0] =	ssyncadd.remote.s32 $0x1  }
0xbe: {  	_ =	sfence.sel $0xFFFF  }
0xbf: {  	[dreg:$0x0] =	wrdreg $0xFFFFFFFF;
	(pc) =	sbr.abs _section_cstart, $3  }
0xc0: {  	[dreg:$0x1] =	wrdreg $0xFFFFFFFF  }
0xc1: {  	_ =	task.clear_ibuf [dreg:s7], $0x2FFFF;
	_ =	strace $0x9FFFFFFF  }
0xc2: {  	(tm) =	ssettm $0x7FFFFFFF  }
0xc3: {  	_ =	shalt  }
tec
execute0_lowered:
.L_overlay_start_1:
0x0: {  	(tag) =	ssettag $0x1  }
0x1: {  	s1 =	srdreg.scid  }
0x2: {  	s0 =	stileid.u32;
	s4 =	rddreg [dreg:$0x0]  }
0x3: {  	s2 =	rddreg [dreg:$0x1];
	s3 =	simm.s32 $0x0;
	s9 =	simm.s32 $0x5  }
0x4: {  	s10 =	simm.s32 $0x320;
	s11 =	simm.s32 $0x6400;
	s12 =	simm.s32 $0x12C00  }
0x5: {  	s13 =	simm.s32 $0x1;
	s14 =	simm.s32 $0x9600;
	s15 =	simm.s32 $0xC800  }
0x6: {  	s16 =	simm.s32 $0xFA00;
	s17 =	simm.s32 $0x2;
	s18 =	simm.s32 $0x15E00  }
0x7: {  	s19 =	simm.s32 $0x19000;
	s20 =	simm.s32 $0x1C200;
	s21 =	simm.s32 $0x3  }
0x8: {  	s22 =	simm.s32 $0x4;
	s5 =	sand.u32 $0x1, s1;
	s31 =	sshll.u32 s0, $0x1  }
0x9: {  	s23 =	simm.s32 $0x0;
	s6 =	sor.u32 s5, s31;
	s5 =	ssub.s32 $0x2, s5  }
0xa: {  	[smem:$0x7FF] =	sst s3;
	s7 =	smul.u32 $0xC80, s6;
	s8 =	sshrl.u32 s5, $0x1  }
0xb: {  	s1 =	rddreg [dreg:$0x2];
	_ =	strace $0x80000047;
	s8 =	ssub.s32 s5, s8  }
0xc: {  	s5 =	sshll.u32 s6, $0x7;
	s7 =	sadd.s32 s7, s4;
	s4 =	sadd.s32 $0xF42E00, s4  }
0xd: {  	s8 =	smax.u32 s8, $0x1;
	s6 =	sadd.s32 $0xA00, s7;
	s7 =	sor.u32 $0x4, s5  }
.LBB2_1:
0xe: {  	[tilespmem:s3], [sflag:$0x5] =	stream.linear.gather [hbm4b:s6+s3], $0x6400, $0x38;
	[tilespmem:$0x1F400] =	vst v63  }
0xf: {  	_ =	swait.ge [sflag:s9], $0x6400  }
0x10: {  	[sflag:s9] =	ssyncset.done $0x0  }
0x11: {  	[sflag:s9] =	ssyncadd.s32 $0xFFFF9C00  }
0x12: {  	[tilespmem:s11], [sflag:$0x1] =	stream.indirect.gather [hbm4b:s4+s10], $0x40, s3, s10, $0xb8;
	[tilespmem:$0x1F400] =	vst v63  }
0x13: {  	s24 =	simm.s32 $0x0  }
0x14: {  	[tilespmem:s12], [sflag:$0x2] =	stream.indirect.gather [hbm4b:s4+s10], $0x40, s10, s10, $0xb8;
	[tilespmem:$0x1F400] =	vst v63  }
.LBB2_2:
0x15: {  	_ =	swait.ge [sflag:s13], $0xC800  }
0x16: {  	[sflag:s13] =	ssyncset.done $0x0  }
0x17: {  	s26 =	simm.s32 $0x6480;
	[sflag:s13] =	ssyncadd.s32 $0xFFFF3800  }
0x18: {  	v0 =	vld [tilespmem:s26+$0xFFFFFF80]  }
0x19: {  	v1 =	vld [tilespmem:s26+$0xFFFFFF90]  }
0x1a: {  	v2 =	vld [tilespmem:s26+$0xFFFFFFA0]  }
0x1b: {  	v3 =	vld [tilespmem:s26+$0xFFFFFFB0]  }
0x1c: {  	v4 =	vld [tilespmem:s26+$0xFFFFFFC0]  }
0x1d: {  	v5 =	vld [tilespmem:s26+$0xFFFFFFD0];
	v0 =	vmul.f32 $8.000000000e+00, v0  }
0x1e: {  	v6 =	vld [tilespmem:s26+$0xFFFFFFE0];
	v1 =	vmul.f32 $8.000000000e+00, v1  }
0x1f: {  	[tilespmem:s26+$0xFFFFFF80] =	vst v0;
	v0 =	vmul.f32 $8.000000000e+00, v2;
	v2 =	vld [tilespmem:s26+$0x0]  }
0x20: {  	[tilespmem:s26+$0xFFFFFF90] =	vst v1;
	v1 =	vmul.f32 $8.000000000e+00, v3;
	v3 =	vld [tilespmem:s26+$0x10]  }
0x21: {  	[tilespmem:s26+$0xFFFFFFA0] =	vst v0;
	v0 =	vmul.f32 $8.000000000e+00, v4;
	v4 =	vld [tilespmem:s26+$0x20]  }
0x22: {  	v7 =	vld [tilespmem:s26+$0x30];
	v5 =	vmul.f32 $8.000000000e+00, v5;
	[tilespmem:s26+$0xFFFFFFB0] =	vst v1  }
0x23: {  	v1 =	vld [tilespmem:s26+$0x40];
	[tilespmem:s26+$0xFFFFFFC0] =	vst v0;
	v0 =	vmul.f32 $8.000000000e+00, v6  }
0x24: {  	[tilespmem:s26+$0xFFFFFFD0] =	vst v5;
	v5 =	vmul.f32 $8.000000000e+00, v2;
	v2 =	vld [tilespmem:s26+$0x50]  }
0x25: {  	v6 =	vmul.f32 $8.000000000e+00, v3;
	v3 =	vld [tilespmem:s26+$0x60];
	[tilespmem:s26+$0xFFFFFFE0] =	vst v0  }
0x26: {  	[tilespmem:s26+$0x0] =	vst v5;
	v5 =	vmul.f32 $8.000000000e+00, v4;
	v4 =	vld [tilespmem:s26+$0x70]  }
0x27: {  	s25 =	simm.s32 $0x0;
	s28 =	simm.s32 $0x6580;
	v0 =	vld [tilespmem:s26+$0xFFFFFFF0];
	[tilespmem:s26+$0x10] =	vst v6;
	v6 =	vmul.f32 $8.000000000e+00, v7  }
.LBB2_3:
0x28: {  	v7 =	vld [tilespmem:s28+$0xFFFFFF80];
	[tilespmem:s26+$0x20] =	vst v5;
	v1 =	vmul.f32 $8.000000000e+00, v1  }
0x29: {  	v5 =	vld [tilespmem:s28+$0xFFFFFF90];
	[tilespmem:s26+$0x30] =	vst v6;
	v2 =	vmul.f32 $8.000000000e+00, v2  }
0x2a: {  	v6 =	vld [tilespmem:s28+$0xFFFFFFA0];
	[tilespmem:s26+$0x40] =	vst v1;
	v1 =	vmul.f32 $8.000000000e+00, v3  }
0x2b: {  	v3 =	vld [tilespmem:s28+$0xFFFFFFB0];
	[tilespmem:s26+$0x50] =	vst v2;
	v2 =	vmul.f32 $8.000000000e+00, v4  }
0x2c: {  	v4 =	vld [tilespmem:s28+$0xFFFFFFC0];
	v0 =	vmul.f32 $8.000000000e+00, v0;
	[tilespmem:s26+$0x60] =	vst v1  }
0x2d: {  	v1 =	vmul.f32 $8.000000000e+00, v7;
	v7 =	vld [tilespmem:s28+$0xFFFFFFD0];
	[tilespmem:s26+$0x70] =	vst v2  }
0x2e: {  	v2 =	vmul.f32 $8.000000000e+00, v5;
	v5 =	vld [tilespmem:s28+$0xFFFFFFE0];
	[tilespmem:s26+$0xFFFFFFF0] =	vst v0;
	s26 =	smov.u32 s28  }
0x2f: {  	[tilespmem:s28+$0xFFFFFF80] =	vst v1;
	v0 =	vmul.f32 $8.000000000e+00, v6;
	v6 =	vld [tilespmem:s28+$0x0]  }
0x30: {  	[tilespmem:s28+$0xFFFFFF90] =	vst v2;
	v1 =	vmul.f32 $8.000000000e+00, v3;
	v3 =	vld [tilespmem:s28+$0x10]  }
0x31: {  	s25 =	sadd.s32 $0x4, s25;
	[tilespmem:s28+$0xFFFFFFA0] =	vst v0;
	v0 =	vmul.f32 $8.000000000e+00, v4;
	v4 =	vld [tilespmem:s28+$0x20]  }
0x32: {  	p0 =	slt.u32 s25, $0x31C;
	[tilespmem:s28+$0xFFFFFFB0] =	vst v1;
	v2 =	vmul.f32 $8.000000000e+00, v7;
	v7 =	vld [tilespmem:s28+$0x30]  }
.Ltmp0:
0x33: {  	[tilespmem:s28+$0xFFFFFFC0] =	vst v0;
	v0 =	vmul.f32 $8.000000000e+00, v5;
	v1 =	vld [tilespmem:s28+$0x40];
	(pc) =	sbr.rel @p0 .LBB2_3-.Ltmp0, $4  }
0x34: {  	[tilespmem:s28+$0xFFFFFFD0] =	vst v2;
	v5 =	vmul.f32 $8.000000000e+00, v6;
	v2 =	vld [tilespmem:s28+$0x50]  }
0x35: {  	[tilespmem:s28+$0xFFFFFFE0] =	vst v0;
	v6 =	vmul.f32 $8.000000000e+00, v3;
	v3 =	vld [tilespmem:s28+$0x60]  }
0x36: {  	[tilespmem:s28+$0x0] =	vst v5;
	v5 =	vmul.f32 $8.000000000e+00, v4;
	v4 =	vld [tilespmem:s28+$0x70]  }
0x37: {  	s28 =	sadd.s32 $0x100, s28;
	v0 =	vld [tilespmem:s26+$0xFFFFFFF0];
	[tilespmem:s26+$0x10] =	vst v6;
	v6 =	vmul.f32 $8.000000000e+00, v7  }
0x38: {  	[tilespmem:s26+$0x20] =	vst v5;
	v1 =	vmul.f32 $8.000000000e+00, v1;
	s25 =	sshll.u32 s24, $0x3  }
0x39: {  	[tilespmem:s26+$0x30] =	vst v6;
	v2 =	vmul.f32 $8.000000000e+00, v2;
	s28 =	sor.u32 s5, s25  }
0x3a: {  	[tilespmem:s26+$0x40] =	vst v1;
	v1 =	vmul.f32 $8.000000000e+00, v3;
	s29 =	smul.u32 $0x640, s28  }
0x3b: {  	s28 =	smul.u32 $0x3200, s28;
	[tilespmem:s26+$0x50] =	vst v2;
	v2 =	vmul.f32 $8.000000000e+00, v4  }
0x3c: {  	v0 =	vmul.f32 $8.000000000e+00, v0;
	[tilespmem:s26+$0x60] =	vst v1  }
0x3d: {  	s31 =	sshrl.u32 s28, $0x3;
	[tilespmem:s26+$0x70] =	vst v2  }
0x3e: {  	s30 =	sadd.s32 s2, s29;
	[tilespmem:s26+$0xFFFFFFF0] =	vst v0;
	s26 =	sadd.s32 s2, s31  }
0x3f: {  	[hbm4b:s30+s3] =	stream.linear.scatter [tilespmem:s11], [sflag:$0x3], $0x3200, $0x38;
	[tilespmem:$0x1F400] =	vst v63  }
0x40: {  	s28 =	sadd.s32 $0x640, s26  }
0x41: {  	[hbm4b:s28+s3] =	stream.linear.scatter [tilespmem:s14], [sflag:$0x3], $0x3200, $0x38;
	[tilespmem:$0x1F400] =	vst v63  }
0x42: {  	s28 =	sadd.s32 $0xC80, s26  }
0x43: {  	[hbm4b:s28+s3] =	stream.linear.scatter [tilespmem:s15], [sflag:$0x3], $0x3200, $0x38;
	[tilespmem:$0x1F400] =	vst v63  }
0x44: {  	s26 =	sadd.s32 $0x12C0, s26  }
0x45: {  	[hbm4b:s26+s3] =	stream.linear.scatter [tilespmem:s16], [sflag:$0x3], $0x3200, $0x38;
	[tilespmem:$0x1F400] =	vst v63  }
0x46: {  	_ =	swait.ge [sflag:s17], $0xC800  }
0x47: {  	[sflag:s17] =	ssyncset.done $0x0  }
0x48: {  	s26 =	simm.s32 $0x12C80;
	[sflag:s17] =	ssyncadd.s32 $0xFFFF3800  }
0x49: {  	v0 =	vld [tilespmem:s26+$0xFFFFFF80]  }
0x4a: {  	v1 =	vld [tilespmem:s26+$0xFFFFFF90]  }
0x4b: {  	v2 =	vld [tilespmem:s26+$0xFFFFFFA0]  }
0x4c: {  	v3 =	vld [tilespmem:s26+$0xFFFFFFB0]  }
0x4d: {  	v4 =	vld [tilespmem:s26+$0xFFFFFFC0]  }
0x4e: {  	v5 =	vld [tilespmem:s26+$0xFFFFFFD0];
	v0 =	vmul.f32 $8.000000000e+00, v0  }
0x4f: {  	v6 =	vld [tilespmem:s26+$0xFFFFFFE0];
	v1 =	vmul.f32 $8.000000000e+00, v1  }
0x50: {  	[tilespmem:s26+$0xFFFFFF80] =	vst v0;
	v0 =	vmul.f32 $8.000000000e+00, v2;
	v2 =	vld [tilespmem:s26+$0x0]  }
0x51: {  	[tilespmem:s26+$0xFFFFFF90] =	vst v1;
	v1 =	vmul.f32 $8.000000000e+00, v3;
	v3 =	vld [tilespmem:s26+$0x10]  }
0x52: {  	[tilespmem:s26+$0xFFFFFFA0] =	vst v0;
	v0 =	vmul.f32 $8.000000000e+00, v4;
	v4 =	vld [tilespmem:s26+$0x20]  }
0x53: {  	v7 =	vld [tilespmem:s26+$0x30];
	[tilespmem:s26+$0xFFFFFFB0] =	vst v1;
	v1 =	vmul.f32 $8.000000000e+00, v5  }
0x54: {  	v5 =	vmul.f32 $8.000000000e+00, v6;
	[tilespmem:s26+$0xFFFFFFC0] =	vst v0;
	v0 =	vld [tilespmem:s26+$0x40]  }
0x55: {  	[tilespmem:s26+$0xFFFFFFD0] =	vst v1;
	v1 =	vmul.f32 $8.000000000e+00, v2;
	v2 =	vld [tilespmem:s26+$0x50]  }
0x56: {  	[tilespmem:s26+$0xFFFFFFE0] =	vst v5;
	v6 =	vmul.f32 $8.000000000e+00, v3;
	v3 =	vld [tilespmem:s26+$0x60]  }
0x57: {  	[tilespmem:s26+$0x0] =	vst v1;
	v5 =	vmul.f32 $8.000000000e+00, v4;
	v4 =	vld [tilespmem:s26+$0x70]  }
0x58: {  	s29 =	simm.s32 $0x12D80;
	s28 =	simm.s32 $0x0;
	v1 =	vld [tilespmem:s26+$0xFFFFFFF0];
	[tilespmem:s26+$0x10] =	vst v6;
	v6 =	vmul.f32 $8.000000000e+00, v7  }
.LBB2_5:
0x59: {  	v7 =	vld [tilespmem:s29+$0xFFFFFF80];
	[tilespmem:s26+$0x20] =	vst v5;
	v0 =	vmul.f32 $8.000000000e+00, v0  }
0x5a: {  	v5 =	vld [tilespmem:s29+$0xFFFFFF90];
	[tilespmem:s26+$0x30] =	vst v6;
	v2 =	vmul.f32 $8.000000000e+00, v2  }
0x5b: {  	v6 =	vld [tilespmem:s29+$0xFFFFFFA0];
	[tilespmem:s26+$0x40] =	vst v0;
	v0 =	vmul.f32 $8.000000000e+00, v3  }
0x5c: {  	v3 =	vld [tilespmem:s29+$0xFFFFFFB0];
	[tilespmem:s26+$0x50] =	vst v2;
	v2 =	vmul.f32 $8.000000000e+00, v4  }
0x5d: {  	v4 =	vld [tilespmem:s29+$0xFFFFFFC0];
	v1 =	vmul.f32 $8.000000000e+00, v1;
	[tilespmem:s26+$0x60] =	vst v0  }
0x5e: {  	v0 =	vmul.f32 $8.000000000e+00, v7;
	v7 =	vld [tilespmem:s29+$0xFFFFFFD0];
	[tilespmem:s26+$0x70] =	vst v2  }
0x5f: {  	v2 =	vmul.f32 $8.000000000e+00, v5;
	v5 =	vld [tilespmem:s29+$0xFFFFFFE0];
	[tilespmem:s26+$0xFFFFFFF0] =	vst v1;
	s26 =	smov.u32 s29  }
0x60: {  	[tilespmem:s29+$0xFFFFFF80] =	vst v0;
	v0 =	vmul.f32 $8.000000000e+00, v6;
	v1 =	vld [tilespmem:s29+$0x0]  }
0x61: {  	[tilespmem:s29+$0xFFFFFF90] =	vst v2;
	v2 =	vmul.f32 $8.000000000e+00, v3;
	v3 =	vld [tilespmem:s29+$0x10]  }
0x62: {  	s28 =	sadd.s32 $0x4, s28;
	[tilespmem:s29+$0xFFFFFFA0] =	vst v0;
	v0 =	vmul.f32 $8.000000000e+00, v4;
	v4 =	vld [tilespmem:s29+$0x20]  }
0x63: {  	p0 =	slt.u32 s28, $0x31C;
	[tilespmem:s29+$0xFFFFFFB0] =	vst v2;
	v2 =	vmul.f32 $8.000000000e+00, v7;
	v6 =	vld [tilespmem:s29+$0x30]  }
.Ltmp1:
0x64: {  	[tilespmem:s29+$0xFFFFFFC0] =	vst v0;
	v5 =	vmul.f32 $8.000000000e+00, v5;
	v0 =	vld [tilespmem:s29+$0x40];
	(pc) =	sbr.rel @p0 .LBB2_5-.Ltmp1, $4  }
0x65: {  	[tilespmem:s29+$0xFFFFFFD0] =	vst v2;
	v1 =	vmul.f32 $8.000000000e+00, v1;
	v2 =	vld [tilespmem:s29+$0x50]  }
0x66: {  	[tilespmem:s29+$0xFFFFFFE0] =	vst v5;
	v7 =	vmul.f32 $8.000000000e+00, v3;
	v3 =	vld [tilespmem:s29+$0x60]  }
0x67: {  	[tilespmem:s29+$0x0] =	vst v1;
	v5 =	vmul.f32 $8.000000000e+00, v4;
	v4 =	vld [tilespmem:s29+$0x70]  }
0x68: {  	s29 =	sadd.s32 $0x100, s29;
	v1 =	vld [tilespmem:s26+$0xFFFFFFF0];
	[tilespmem:s26+$0x10] =	vst v7;
	v6 =	vmul.f32 $8.000000000e+00, v6  }
0x69: {  	[tilespmem:s26+$0x20] =	vst v5;
	v0 =	vmul.f32 $8.000000000e+00, v0  }
0x6a: {  	s25 =	sor.u32 s7, s25;
	[tilespmem:s26+$0x30] =	vst v6;
	v2 =	vmul.f32 $8.000000000e+00, v2  }
0x6b: {  	s28 =	smul.u32 $0x640, s25;
	[tilespmem:s26+$0x40] =	vst v0;
	v62 =	vmul.f32 $8.000000000e+00, v3  }
0x6c: {  	s25 =	smul.u32 $0x3200, s25;
	[tilespmem:s26+$0x50] =	vst v2;
	v63 =	vmul.f32 $8.000000000e+00, v4  }
0x6d: {  	v1 =	vmul.f32 $8.000000000e+00, v1;
	[tilespmem:s26+$0x60] =	vst v62  }
0x6e: {  	s25 =	sshrl.u32 s25, $0x3;
	[tilespmem:s26+$0x70] =	vst v63  }
0x6f: {  	s31 =	sadd.s32 s2, s28;
	s25 =	sadd.s32 s2, s25;
	[tilespmem:s26+$0xFFFFFFF0] =	vst v1  }
0x70: {  	[hbm4b:s31+s3] =	stream.linear.scatter [tilespmem:s12], [sflag:$0x4], $0x3200, $0x38;
	[tilespmem:$0x1F400] =	vst v63  }
0x71: {  	s28 =	sadd.s32 $0x640, s25  }
0x72: {  	[hbm4b:s28+s3] =	stream.linear.scatter [tilespmem:s18], [sflag:$0x4], $0x3200, $0x38;
	[tilespmem:$0x1F400] =	vst v63  }
0x73: {  	s29 =	sadd.s32 $0xC80, s25  }
0x74: {  	[hbm4b:s29+s3] =	stream.linear.scatter [tilespmem:s19], [sflag:$0x4], $0x3200, $0x38;
	[tilespmem:$0x1F400] =	vst v63  }
0x75: {  	s25 =	sadd.s32 $0x12C0, s25  }
0x76: {  	[hbm4b:s25+s3] =	stream.linear.scatter [tilespmem:s20], [sflag:$0x4], $0x3200, $0x38;
	[tilespmem:$0x1F400] =	vst v63  }
0x77: {  	_ =	swait.ge [sflag:s21], $0x3200  }
0x78: {  	[sflag:s21] =	ssyncset.done $0x0  }
0x79: {  	[sflag:s21] =	ssyncadd.s32 $0xFFFFCE00  }
0x7a: {  	_ =	swait.ge [sflag:s21], $0x3200  }
0x7b: {  	[sflag:s21] =	ssyncset.done $0x0  }
0x7c: {  	[sflag:s21] =	ssyncadd.s32 $0xFFFFCE00  }
0x7d: {  	s30 =	sshll.u32 s24, $0x1;
	_ =	swait.ge [sflag:s21], $0x3200  }
0x7e: {  	s31 =	smin.u32 s30, $0x1D;
	[sflag:s21] =	ssyncset.done $0x0  }
0x7f: {  	s26 =	smul.u32 $0xC80, s31;
	[sflag:s21] =	ssyncadd.s32 $0xFFFFCE00  }
0x80: {  	_ =	swait.ge [sflag:s21], $0x3200  }
0x81: {  	s26 =	sshrl.u32 s26, $0x2;
	[sflag:s21] =	ssyncset.done $0x0  }
0x82: {  	s26 =	sadd.s32 $0x640, s26;
	[sflag:s21] =	ssyncadd.s32 $0xFFFFCE00  }
0x83: {  	[tilespmem:s11], [sflag:$0x1] =	stream.indirect.gather [hbm4b:s4+s10], $0x40, s26, s10, $0xb8;
	[tilespmem:$0x1F400] =	vst v63  }
0x84: {  	_ =	swait.ge [sflag:s22], $0x3200  }
0x85: {  	[sflag:s22] =	ssyncset.done $0x0  }
0x86: {  	[sflag:s22] =	ssyncadd.s32 $0xFFFFCE00  }
0x87: {  	_ =	swait.ge [sflag:s22], $0x3200  }
0x88: {  	[sflag:s22] =	ssyncset.done $0x0  }
0x89: {  	[sflag:s22] =	ssyncadd.s32 $0xFFFFCE00  }
0x8a: {  	s24 =	sadd.s32 $0x1, s24;
	s25 =	smin.u32 s30, $0x1C;
	_ =	swait.ge [sflag:s22], $0x3200  }
0x8b: {  	p0 =	sne.s32 s24, $0x10;
	s25 =	smul.u32 $0xC80, s25;
	[sflag:s22] =	ssyncset.done $0x0  }
.Ltmp2:
0x8c: {  	[sflag:s22] =	ssyncadd.s32 $0xFFFFCE00;
	(pc) =	sbr.rel @p0 .LBB2_2-.Ltmp2, $4  }
0x8d: {  	_ =	swait.ge [sflag:s22], $0x3200  }
0x8e: {  	s25 =	sshrl.u32 s25, $0x2;
	[sflag:s22] =	ssyncset.done $0x0  }
0x8f: {  	s25 =	sadd.s32 $0x960, s25;
	[sflag:s22] =	ssyncadd.s32 $0xFFFFCE00  }
0x90: {  	[tilespmem:s12], [sflag:$0x2] =	stream.indirect.gather [hbm4b:s4+s10], $0x40, s25, s10, $0xb8;
	[tilespmem:$0x1F400] =	vst v63  }
0x91: {  	s23 =	sadd.s32 $0x1, s23  }
0x92: {  	_ =	swait.ge [sflag:s13], $0xC800;
	p0 =	sne.s32 s23, s8  }
.Ltmp3:
0x93: {  	[sflag:s13] =	ssyncset.done $0x0;
	(pc) =	sbr.rel @p0 .LBB2_1-.Ltmp3, $4  }
0x94: {  	[sflag:s13] =	ssyncadd.s32 $0xFFFF3800  }
0x95: {  	_ =	swait.ge [sflag:s17], $0xC800  }
0x96: {  	[sflag:s17] =	ssyncset.done $0x0  }
0x97: {  	[sflag:s17] =	ssyncadd.s32 $0xFFFF3800  }
0x98: {  	_ =	sfence.sel $0x180000  }
0x99: {  	[bflag:$0x0] =	sbarrier.arrive $0xFFFF  }
0x9a: {  	p0 =	sne.s32 s0, $0x0;
	_ =	strace $0x90000047  }
0x9b: {  	s0 =	sadd.s32 @!p0 $0x100000, s1;
	[bflag:$0x2] =	sbarrier.arrive $0xFFFF  }
0x9c: {  	[sflag:s0] =	ssyncadd.tile.s32 @!p0 $0x1;
	_ =	shalt  }
.Lfunc_end2:
_tile_overlayer_lowered:
.L_overlay_start_2:
0x9d: {  	(tag) =	ssettag $0x2  }
0x9e: {  	s0 =	rddreg [dreg:$0x0];
	s2 =	stileid.u32  }
0x9f: {  	s1 =	rddreg [dreg:$0x1];
	p0 =	sne.s32 s2, $0x0  }
0xa0: {  	s3 =	rddreg [dreg:$0x2];
	[bflag:$0x3] =	sbarrier.arrive $0xFFFF;
	s2 =	simm.s32 @!p0 $0x1C05  }
0xa1: {  	[timem:s3], [sflag:s2] =	dma.local @!p0 [hbm:s0], s1  }
0xa2: {  	s0 =	simm.s32 @!p0 $0x5  }
0xa3: {  	_ =	swait.ge @!p0 [sflag:s0], s1  }
0xa4: {  	s1 =	ssub.s32 @!p0 $0x0, s1;
	[sflag:s0] =	ssyncset.done @!p0 $0x0  }
0xa5: {  	[sflag:s0] =	ssyncadd.s32 @!p0 s1  }
0xa6: {  	[bflag:$0x3] =	sbarrier.arrive $0xFFFF  }
0xa7: {  	_ =	shalt  }

// kernel: sparse-core-data-format-call.cloned.1.call-start
scs
called_computation_lowered:
.L_overlay_start_0:
0x0: {  	s2 =	sld [smem:$0x3FD9]  }
0x1: {  	s3 =	sld [smem:$0x3FFE];
	_ =	sdelay $0x1  }
0x2: {  	s1 =	srdreg.scid  }
0x3: {  	s0 =	sand.u32 $0x1, s1  }
0x4: {  	s18 =	sshll.u32 s0, $0xA;
	s2 =	sadd.s32 s3, s2  }
0x5: {  	s2 =	sadd.s32 s2, s18  }
0x6: {  	[smem:$0x3FC6] =	sst s2  }
0x7: {  	_ = 	snop  }
0x8: {  	s2 =	sld [smem:$0x3FD0];
	(tm) =	ssettm $0x1  }
0x9: {  	s19 =	sld [smem:$0x3FFB];
	_ =	sdelay $0x3  }
0xa: {  	_ =	strace s19  }
0xb: {  	s3 =	sld [smem:$0x3FFC];
	_ =	sdelay $0x3  }
0xc: {  	_ =	strace s3  }
0xd: {  	s3 =	sld [smem:$0x3FFD];
	_ =	sdelay $0x3  }
0xe: {  	_ =	strace s3  }
0xf: {  	_ =	strace $0x8FFFFFFF  }
0x10: {  	s20 =	sld [smem:$0x3FDB];
	_ =	sdelay $0x1  }
0x11: {  	s4 =	simm.s32 $_scs_section_size  }
0x12: {  	s5 =	simm.s32 $_size__tile_overlayer_lowered;
	s6 =	simm.s32 $_tile_overlayer_lowered  }
0x13: {  	s23 =	simm.s32 $0x1BFF;
	s22 =	sshll.u32 s6, $0x1;
	s3 =	sadd.s32 s4, s20  }
0x14: {  	s7 =	simm.s32 $0x0;
	s21 =	sshll.u32 s5, $0x1;
	s5 =	sadd.s32 s22, s3  }
0x15: {  	[timem:s7], [sflag:s23] =	dma.local [hbm:s5], s21  }
0x16: {  	_ =	swait.ge [sflag:s23], s21  }
0x17: {  	s4 =	ssub.s32 $0x0, s21;
	[sflag:s23] =	ssyncset.done $0x0  }
0x18: {  	[sflag:s23] =	ssyncadd.s32 s4;
	_ =	sdelay $0x1  }
0x19: {  	s24 =	simm.s32 $0x1B8B  }
0x1a: {  	_ =	swait.ge [sflag:s24], $0x1  }
0x1b: {  	[sflag:s24] =	ssyncset.done $0x0  }
0x1c: {  	s26 =	simm.s32 $0x1B8E;
	s25 =	sld [smem:$0x3FFE];
	[sflag:s24] =	ssyncadd.s32 $0xFFFFFFFF  }
0x1d: {  	s27 =	simm.s32 $execute0_lowered;
	[smem:$0x3FD2] =	sst s26  }
0x1e: {  	s5 =	sshll.u32 s27, $0x1;
	_ =	strace $0x80000049;
	[dreg:$0x1] =	wrdreg $0xFFFFFFFF  }
0x1f: {  	s28 =	simm.s32 $_size_execute0_lowered;
	s3 =	sadd.s32 s3, s5;
	[dreg:$0x0] =	wrdreg $0x0  }
0x20: {  	s5 =	sshll.u32 s28, $0x1;
	[dreg:$0x2] =	wrdreg s3  }
0x21: {  	[dreg:$0x3] =	wrdreg s5  }
0x22: {  	[dreg:$0x4] =	wrdreg $0xC0  }
0x23: {  	_ =	task [dreg:s7], $0x5FFFF  }
0x24: {  	[dreg:$0x1] =	wrdreg $0xFFFFFFFF  }
0x25: {  	[dreg:$0x0] =	wrdreg $0x60  }
0x26: {  	[dreg:$0x2] =	wrdreg s25  }
0x27: {  	[dreg:$0x3] =	wrdreg s2  }
0x28: {  	[dreg:$0x4] =	wrdreg $0x9  }
0x29: {  	_ =	task.clear_ibuf [dreg:s7], $0x5FFFF;
	_ =	strace $0x90000049  }
0x2a: {  	s29 =	simm.s32 $0x9;
	_ =	strace $0x8000004B  }
0x2b: {  	_ =	swait.ge [sflag:s29], $0x1  }
0x2c: {  	[sflag:s29] =	ssyncadd.s32 $0xFFFFFFFF  }
0x2d: {  	_ =	strace $0x9000004B  }
0x2e: {  	_ =	sfence  }
0x2f: {  	s30 =	sld [smem:$0x0];
	_ =	sdelay $0x2  }
0x30: {  	s31 =	sshll.u32 s1, $0xD;
	s1 =	sshrl.u32 s1, $0x2  }
0x31: {  	s3 =	sand.u32 $0x4000, s31;
	s1 =	sadd.s32 s1, s30  }
0x32: {  	s0 =	sor.u32 s3, s0;
	s1 =	sshll.u32 s1, $0x11  }
0x33: {  	s0 =	sor.u32 s1, s0  }
0x34: {  	s0 =	sadd.s32 $0x8F2B, s0  }
0x35: {  	[sflag:s0] =	ssyncadd.remote.s32 $0x1  }
0x36: {  	_ =	sfence.sel $0xFFFF  }
0x37: {  	[dreg:$0x0] =	wrdreg $0xFFFFFFFF;
	(pc) =	sbr.abs _section_cstart, $3  }
0x38: {  	[dreg:$0x1] =	wrdreg $0xFFFFFFFF  }
0x39: {  	_ =	task.clear_ibuf [dreg:s7], $0x2FFFF;
	_ =	strace $0x9FFFFFFF  }
0x3a: {  	(tm) =	ssettm $0x7FFFFFFF  }
0x3b: {  	_ =	shalt  }
tec
execute0_lowered:
.L_overlay_start_1:
0x0: {  	(tag) =	ssettag $0x1  }
0x1: {  	s0 =	srdreg.scid  }
0x2: {  	s1 =	sshll.u32 s0, $0x4  }
0x3: {  	s0 =	stileid.u32;
	s1 =	sand.u32 $0x10, s1  }
0x4: {  	s1 =	sor.u32 s0, s1  }
0x5: {  	s6 =	rddreg [dreg:$0x0];
	s4 =	simm.s32 $0x1;
	s2 =	sshll.u32 s1, $0x7  }
0x6: {  	s7 =	simm.s32 $0x2;
	s12 =	simm.s32 $0x0;
	s1 =	ssub.s32 $0x1000, s2  }
0x7: {  	s8 =	simm.s32 $0x8000;
	s13 =	simm.s32 $0x0;
	s3 =	sand.u32 $0xF80, s1  }
0x8: {  	s9 =	simm.s32 $0x0;
	s5 =	sshrl.u32 s1, $0xC;
	p0 =	sne.s32 s3, $0x0  }
.Ltmp0:
0x9: {  	s1 =	rddreg [dreg:$0x2];
	s4 =	simm.s32 @!p0 $0x0;
	(pc) =	sbr.rel .LBB1_1-.Ltmp0, $4  }
0xa: {  	s11 =	simm.s32 $0x0;
	s3 =	rddreg [dreg:$0x1];
	s5 =	sadd.s32 s4, s5  }
0xb: {  	_ =	strace $0x8000004A;
	s4 =	simm.s32 $0x1;
	s5 =	smul.u32 $0xC8, s5  }
0xc: {  	s6 =	sadd.s32 $0xA00, s6;
	s10 =	smov.u32 s2;
	[sflag:s4] =	ssyncpa.u1 $0x0  }
0xd: {  	p0 =	por $0x0, $0x0;
	[sflag:s7] =	ssyncpa.u1 $0x0;
	s7 =	sor.u32 $0x1, s5  }
.LBB1_4:
0xe: {  	s16 =	sshll.u32 s13, $0x3;
	s17 =	sand.u32 $0x78, s13  }
0xf: {  	s30 =	sand.u32 $0x7E00, s13;
	s12 =	sshll.u32 s12, $0xF;
	s16 =	sand.u32 $0xC00, s16  }
0x10: {  	[tilespmem:s15+$0x810 ss:$0x81] =	vst.msk $0xffff, v2;
	s31 =	sand.u32 $0x7, s13;
	s16 =	sor.u32 s17, s16;
	s17 =	sadd.s32 s3, s30  }
0x11: {  	[tilespmem:s15+$0x1020 ss:$0x81] =	vst.msk $0xffff, v0;
	s13 =	sshll.u32 s31, $0x12;
	s12 =	sadd.s32 s12, s17;
	s16 =	sshrl.u32 s16, $0x3  }
0x12: {  	[tilespmem:s15+$0x0 ss:$0x81] =	vst.msk $0xffff, v1;
	s13 =	sor.u32 $0x400, s13;
	s12 =	sadd.s32 s16, s12  }
0x13: {  	[hbm4b:s12+s13] =	stream.strided.scatter [tilespmem:s14], [sflag:$0x2], $0x2000, s8, s13, $0x20;
	[tilespmem:$0x8080] =	vst v63  }
.LBB1_5:
0x14: {  	s14 =	sadd.s32 $0x1, s9  }
0x15: {  	s12 =	sadd.s32 $0x1000, s10;
	s16 =	smov.u32 s10;
	p2 =	sgt.s32 s14, $0xC7  }
0x16: {  	s16 =	smov.u32 @p2 s12  }
0x17: {  	s14 =	simm.s32 @p2 $0x0;
	p2 =	sgt.s32 s16, $0xFFF  }
0x18: {  	s16 =	smov.u32 @p2 s2;
	p2 =	sne.s32 s11, s7  }
.Ltmp1:
0x19: {  	p1 =	slt.u32 s11, $0x2;
	(pc) =	sbr.rel @!p2 .LBB1_6-.Ltmp1, $4  }
0x1a: {  	s15 =	simm.s32 @!p1 $0x2  }
0x1b: {  	s13 =	smov.u32 s10;
	p0 =	por !p0, !p0;
	_ =	swait.ge @!p1 [sflag:s15], $0x2000  }
0x1c: {  	s12 =	smov.u32 s9;
	[sflag:s15] =	ssyncset.done @!p1 $0x0;
	s9 =	smov.u32 s14  }
0x1d: {  	s11 =	sadd.s32 $0x1, s11;
	[sflag:s15] =	ssyncadd.s32 @!p1 $0xFFFFE000;
	s10 =	smov.u32 s16  }
.LBB1_1:
0x1e: {  	p1 =	sge.u32 s11, s5  }
0x1f: {  	s14 =	sand.u32 @!p1 $0x1FFFFFF, s9  }
0x20: {  	s15 =	smulhi.u32 @!p1 $0x147AE15, s14;
	_ =	sdelay $0x1  }
0x21: {  	s15 =	smul.u32 @!p1 $0xC8, s15  }
0x22: {  	s16 =	sxor.u32 @!p1 $0xFFFFFFFF, s11;
	s17 =	smul.u32 @!p1 $0xC80, s10  }
0x23: {  	s31 =	sadd.s32 $0xFFFFFFFF, s11;
	s16 =	sshll.u32 @!p1 s16, $0xD;
	s14 =	ssub.s32 @!p1 s14, s15  }
0x24: {  	s15 =	sand.u32 @!p1 $0x2000, s16;
	s16 =	sadd.s32 @!p1 s6, s17;
	s14 =	sshll.u32 @!p1 s14, $0x4  }
0x25: {  	s17 =	simm.s32 @!p1 $0x6400;
	s14 =	sadd.s32 @!p1 s14, s16;
	s16 =	simm.s32 @!p1 $0x40  }
0x26: {  	[tilespmem:s15], [sflag:$0x1] =	stream.strided.gather @!p1 [hbm4b:s14+s16], $0x2000, s17, s16, $0x38;
	[tilespmem:$0x8080] =	vst v63  }
0x27: {  	p1 =	sge.u32 s31, s5  }
.Ltmp2:
0x28: {  	_ = 	snop;
	(pc) =	sbr.rel @p1 .LBB1_5-.Ltmp2, $1  }
0x29: {  	_ =	sdelay $0x3  }
0x2a: {  	s14 =	simm.s32 $0x1  }
0x2b: {  	_ =	swait.ge [sflag:s4], $0x2000;
	s14 =	simm.s32 @!p0 $0x0  }
0x2c: {  	[sflag:s4] =	ssyncset.done $0x0;
	s15 =	sshll.u32 s14, $0xD  }
0x2d: {  	[sflag:s4] =	ssyncadd.s32 $0xFFFFE000;
	s18 =	sor.u32 $0x20, s15  }
0x2e: {  	s14 =	smul.u32 $0x8100, s14;
	v3 =	vld [tilespmem:s18+$0x10]  }
0x2f: {  	s30 =	sand.u32 $0x1, s11;
	v2 =	vld [tilespmem:s18+$0xFFFFFFF0]  }
0x30: {  	s15 =	smul.u32 $0x8100, s30;
	s14 =	sshrl.u32 s14, $0x2;
	v0 =	vld [tilespmem:s18+$0x0]  }
0x31: {  	v1 =	vld [tilespmem:s18+$0xFFFFFFE0];
	s16 =	sor.u32 $0x4000, s14  }
0x32: {  	s31 =	sshrl.u32 s15, $0x2;
	s15 =	sadd.s32 $0x0, s16  }
0x33: {  	s17 =	simm.s32 $0x4;
	s18 =	sadd.s32 $0x40, s18;
	s14 =	sor.u32 $0x4000, s31;
	[tilespmem:s15+$0x1830 ss:$0x81] =	vst.msk $0xffff, v3  }
.LBB1_3:
0x34: {  	v3 =	vld [tilespmem:s18+$0x10];
	p1 =	sne.s32 s17, $0x1FC;
	[tilespmem:s15+$0x810 ss:$0x81] =	vst.msk $0xffff, v2;
	s19 =	smov.u32 s17;
	s17 =	sadd.s32 $0x4, s17  }
.Ltmp3:
0x35: {  	v2 =	vld [tilespmem:s18+$0xFFFFFFF0];
	[tilespmem:s15+$0x1020 ss:$0x81] =	vst.msk $0xffff, v0;
	(pc) =	sbr.rel @p1 .LBB1_3-.Ltmp3, $4  }
0x36: {  	v0 =	vld [tilespmem:s18+$0x0];
	[tilespmem:s15+$0x0 ss:$0x81] =	vst.msk $0xffff, v1  }
0x37: {  	s15 =	sshra.s32 s19, $0x2;
	v1 =	vld [tilespmem:s18+$0xFFFFFFE0]  }
0x38: {  	s15 =	sadd.s32 s15, s16  }
0x39: {  	s18 =	sadd.s32 $0x40, s18;
	[tilespmem:s15+$0x1830 ss:$0x81] =	vst.msk $0xffff, v3  }
.Ltmp4:
0x3a: {  	_ = 	snop;
	(pc) =	sbr.rel .LBB1_4-.Ltmp4, $1  }
0x3b: {  	_ =	sdelay $0x3  }
.LBB1_6:
0x3c: {  	_ =	sfence.sel $0x180000  }
0x3d: {  	s2 =	simm.s32 $0x1;
	[bflag:$0x0] =	sbarrier.arrive $0xFFFF  }
0x3e: {  	s31 =	simm.s32 $0x2;
	[sflag:s2] =	ssyncpa.u1 $0x1  }
0x3f: {  	[sflag:s31] =	ssyncpa.u1 $0x1  }
0x40: {  	p0 =	sne.s32 s0, $0x0;
	_ =	strace $0x9000004A  }
0x41: {  	s0 =	sadd.s32 @!p0 $0x100000, s1;
	[bflag:$0x2] =	sbarrier.arrive $0xFFFF  }
0x42: {  	[sflag:s0] =	ssyncadd.tile.s32 @!p0 $0x1;
	_ =	shalt  }
.Lfunc_end1:
_tile_overlayer_lowered:
.L_overlay_start_2:
0x43: {  	(tag) =	ssettag $0x2  }
0x44: {  	s0 =	rddreg [dreg:$0x0];
	s2 =	stileid.u32  }
0x45: {  	s1 =	rddreg [dreg:$0x1];
	p0 =	sne.s32 s2, $0x0  }
0x46: {  	s3 =	rddreg [dreg:$0x2];
	[bflag:$0x3] =	sbarrier.arrive $0xFFFF;
	s2 =	simm.s32 @!p0 $0x1C01  }
0x47: {  	[timem:s3], [sflag:s2] =	dma.local @!p0 [hbm:s0], s1  }
0x48: {  	s0 =	simm.s32 @!p0 $0x1  }
0x49: {  	_ =	swait.ge @!p0 [sflag:s0], s1  }
0x4a: {  	s1 =	ssub.s32 @!p0 $0x0, s1;
	[sflag:s0] =	ssyncset.done @!p0 $0x0  }
0x4b: {  	[sflag:s0] =	ssyncadd.s32 @!p0 s1  }
0x4c: {  	[bflag:$0x3] =	sbarrier.arrive $0xFFFF  }
0x4d: {  	_ =	shalt  }

</sc_bundles>
